<compile_context>
chip_gen: v7x
topology: tpu7x:2x2x1
jax: 0.10.2.dev20260603
libtpu: 0.0.44.dev20260713+nightly
codegen_flags: <defaults>
</compile_context>

<pallas_src>
import functools

import jax
import jax.numpy as jnp
from jax import lax
from jax.experimental import pallas as pl
from jax.experimental.pallas import tpu as pltpu
from jax.experimental.pallas import tpu_sc as plsc

B = 16384
N = 1000000
NC = 2
NS = 16
RP = 62592
NT = NS * RP
BW = B // (NC * NS)
CH = 128
NCH = BW // CH
U = 8

_mesh = plsc.VectorSubcoreMesh(core_axis_name="c", subcore_axis_name="s")


@functools.partial(
    pl.kernel,
    out_type=(jax.ShapeDtypeStruct((B,), jnp.float32),
              jax.ShapeDtypeStruct((NC * NT,), jnp.int32)),
    mesh=_mesh,
    scratch_types=[
        pltpu.VMEM((B,), jnp.int32),
        pltpu.VMEM((RP,), jnp.int32),
        pltpu.VMEM((BW,), jnp.int32),
        pltpu.VMEM((BW,), jnp.int32),
        pltpu.VMEM((BW,), jnp.float32),
        pltpu.SemaphoreType.DMA,
    ],
    compiler_params=pltpu.CompilerParams(needs_layout_passes=False),
)
def _state_gather(idx_hbm, val_hbm, out_hbm, tabs_hbm, idx_v, table_v, w_v,
                  j_v, val_v, sem):
    cid = lax.axis_index("c")
    sid = lax.axis_index("s")
    lo = pl.multiple_of(sid * RP, 128)
    with jax.named_scope("idx_in"):
        pltpu.sync_copy(idx_hbm, idx_v)
    rp_u = jnp.uint32(RP)

    def body(vb, carry):
        base = vb * (16 * U)
        ivs = [idx_v[pl.ds(base + u * 16, 16)] for u in range(U)]
        locs = [iv - lo for iv in ivs]
        ms = [loc.astype(jnp.uint32) < rp_u for loc in locs]
        for u in range(U):
            plsc.store_scatter(table_v, [locs[u]],
                               jnp.full((16,), vb * U + u, jnp.int32), mask=ms[u])
        return carry

    with jax.named_scope("scan"):
        lax.fori_loop(0, B // (16 * U), body, 0)
    stab = tabs_hbm.at[pl.ds(pl.multiple_of(cid * NT, 128), NT)]
    with jax.named_scope("dump"):
        pltpu.sync_copy(table_v, stab.at[pl.ds(lo, RP)])
        plsc.subcore_barrier()

    base = pl.multiple_of((cid * NS + sid) * BW, 128)
    with jax.named_scope("wgather"):
        copies = [
            pltpu.async_copy(
                stab.at[idx_v.at[pl.ds(base + j * CH, CH)]],
                w_v.at[pl.ds(j * CH, CH)], sem)
            for j in range(NCH)
        ]
        for c in copies:
            c.wait()

    def resolve(k, carry):
        myidx = idx_v[pl.ds(base + k * 16, 16)]
        wv16 = w_v[pl.ds(k * 16, 16)] * 16
        jbest = wv16
        for l in range(16):
            cand = plsc.load_gather(idx_v, [wv16 + l])
            jbest = jnp.where(cand == myidx, wv16 + l, jbest)
        j_v[pl.ds(k * 16, 16)] = jbest
        return carry

    with jax.named_scope("resolve"):
        lax.fori_loop(0, BW // 16, resolve, 0)

    with jax.named_scope("vgather"):
        copies = [
            pltpu.async_copy(
                val_hbm.at[j_v.at[pl.ds(j * CH, CH)]],
                val_v.at[pl.ds(j * CH, CH)], sem)
            for j in range(NCH)
        ]
        for c in copies:
            c.wait()
    with jax.named_scope("out"):
        pltpu.sync_copy(val_v, out_hbm.at[pl.ds(base, BW)])


def kernel(node_idxs, values, state):
    idx_flat = node_idxs.astype(jnp.int32)
    val_flat = values.reshape(B)
    out, _ = _state_gather(idx_flat, val_flat)
    return out.reshape(B, 1)

# --- scband reference (transcript-rebuilt; emitter-appended) ---
"""Pipeline reference for scband-state-58995670778144 (READ-ONLY COPY).

The authoritative reference and input builder live on the scoring server;
editing this copy changes nothing except your own understanding.
"""

import jax, jax.numpy as jnp
import numpy as np

N_NODES = 1000000
BATCH = 16384


def setup_inputs(seed: int = 0) -> dict:
    key = jax.random.key(seed)
    k1, k2 = jax.random.split(key)
    node_idxs = jax.random.randint(k1, (BATCH,), 0, N_NODES)
    values = jax.random.normal(k2, (BATCH, 1), dtype=jnp.float32)
    # learned parameter: state initialized to ones, shape (n_nodes, 1)
    state = jnp.ones((N_NODES, 1), dtype=jnp.float32)
    return {"node_idxs": node_idxs, "values": values, "state": state}


def reference(node_idxs, values, state):
    # set_state(node_idxs, values): scatter-overwrite into the state table
    new_state = state.at[node_idxs].set(values)
    # get_state(node_idxs): gather rows back out
    out = new_state[node_idxs]
    return out

if __name__ == "__main__":
    import jax
    _d = setup_inputs()
    print(jax.jit(kernel)(*tuple(_d.values())))

</pallas_src>

<mosaic_0001>
#map = affine_map<(d0, d1) -> (0)>
module attributes {stable_mosaic.version = 14 : i64} {
  func.func @_state_gather(%arg0: i32, %arg1: i32, %arg2: memref<16384xi32, #tpu.memory_space<hbm>>, %arg3: memref<16384xf32, #tpu.memory_space<hbm>>, %arg4: memref<16384xf32, #tpu.memory_space<hbm>>, %arg5: memref<2002944xi32, #tpu.memory_space<hbm>>, %arg6: memref<16384xi32, #tpu.memory_space<vmem>>, %arg7: memref<62592xi32, #tpu.memory_space<vmem>>, %arg8: memref<512xi32, #tpu.memory_space<vmem>>, %arg9: memref<512xi32, #tpu.memory_space<vmem>>, %arg10: memref<512xf32, #tpu.memory_space<vmem>>, %arg11: memref<!tpu.dma_semaphore, #tpu.memory_space<semaphore_mem>>) attributes {dimension_semantics = [#tpu.dimension_semantics<core_parallel>, #tpu.dimension_semantics<subcore_parallel>], iteration_bounds = array<i64: 2, 16>, scalar_prefetch = 0 : i64, scratch_operands = 6 : i64, tpu.core_type = #tpu.core_type<sc_vector_subcore>, window_params = [{transform_indices = #map}, {transform_indices = #map}, {transform_indices = #map}, {transform_indices = #map}]} {
    %mul3A = arith.constant 62592 : i32
    %mul3A_0 = arith.muli %arg1, %mul3A : i32
    %multiple_of3A = tpu.assume_multiple %mul3A_0, 128 : i32
    "tpu.trace_start"() <{level = 10 : i32, message = "idx_in"}> : () -> ()
    "tpu.region"() ({
      %run_scoped3A = tpu.sem_alloc : memref<!tpu.dma_semaphore, #tpu.memory_space<semaphore_mem>>
      tpu.enqueue_dma source(%arg2 : memref<16384xi32, #tpu.memory_space<hbm>>) target(%arg6 : memref<16384xi32, #tpu.memory_space<vmem>>) target_semaphore(%run_scoped3A : memref<!tpu.dma_semaphore, #tpu.memory_space<semaphore_mem>>)
      tpu.wait_dma2 semaphore(%run_scoped3A : memref<!tpu.dma_semaphore, #tpu.memory_space<semaphore_mem>>) src(%arg2 : memref<16384xi32, #tpu.memory_space<hbm>>) dst(%arg6 : memref<16384xi32, #tpu.memory_space<vmem>>)
      tpu.yield
    }) : () -> ()
    "tpu.trace_stop"() : () -> ()
    "tpu.trace_start"() <{level = 10 : i32, message = "scan"}> : () -> ()
    %scan3A = arith.constant 0 : i32
    %scan3A_1 = arith.constant 62592 : i32
    %scan3A_2 = arith.constant 0 : i32
    %scan3A_3 = arith.constant 128 : i32
    %scan3A_4 = arith.addi %scan3A_2, %scan3A_3 : i32
    %scan3A_5 = arith.constant 1 : i32
    scf.for %scan3A_123 = %scan3A_2 to %scan3A_4 step %scan3A_5  : i32 {
      %mul3A_124 = arith.constant 128 : i32
      %mul3A_125 = arith.muli %scan3A_123, %mul3A_124 : i32
      %add3A_126 = arith.constant 0 : i32
      %add3A_127 = arith.addi %mul3A_125, %add3A_126 : i32
      %get3A = arith.index_cast %add3A_127 : i32 to index
      %get3A_128 = tpu.vector_load %arg6[%get3A] {strides = array<i32>} : memref<16384xi32, #tpu.memory_space<vmem>>, vector<16xi32>,
      %add3A_129 = arith.constant 16 : i32
      %add3A_130 = arith.addi %mul3A_125, %add3A_129 : i32
      %get3A_131 = arith.index_cast %add3A_130 : i32 to index
      %get3A_132 = tpu.vector_load %arg6[%get3A_131] {strides = array<i32>} : memref<16384xi32, #tpu.memory_space<vmem>>, vector<16xi32>,
      %add3A_133 = arith.constant 32 : i32
      %add3A_134 = arith.addi %mul3A_125, %add3A_133 : i32
      %get3A_135 = arith.index_cast %add3A_134 : i32 to index
      %get3A_136 = tpu.vector_load %arg6[%get3A_135] {strides = array<i32>} : memref<16384xi32, #tpu.memory_space<vmem>>, vector<16xi32>,
      %add3A_137 = arith.constant 48 : i32
      %add3A_138 = arith.addi %mul3A_125, %add3A_137 : i32
      %get3A_139 = arith.index_cast %add3A_138 : i32 to index
      %get3A_140 = tpu.vector_load %arg6[%get3A_139] {strides = array<i32>} : memref<16384xi32, #tpu.memory_space<vmem>>, vector<16xi32>,
      %add3A_141 = arith.constant 64 : i32
      %add3A_142 = arith.addi %mul3A_125, %add3A_141 : i32
      %get3A_143 = arith.index_cast %add3A_142 : i32 to index
      %get3A_144 = tpu.vector_load %arg6[%get3A_143] {strides = array<i32>} : memref<16384xi32, #tpu.memory_space<vmem>>, vector<16xi32>,
      %add3A_145 = arith.constant 80 : i32
      %add3A_146 = arith.addi %mul3A_125, %add3A_145 : i32
      %get3A_147 = arith.index_cast %add3A_146 : i32 to index
      %get3A_148 = tpu.vector_load %arg6[%get3A_147] {strides = array<i32>} : memref<16384xi32, #tpu.memory_space<vmem>>, vector<16xi32>,
      %add3A_149 = arith.constant 96 : i32
      %add3A_150 = arith.addi %mul3A_125, %add3A_149 : i32
      %get3A_151 = arith.index_cast %add3A_150 : i32 to index
      %get3A_152 = tpu.vector_load %arg6[%get3A_151] {strides = array<i32>} : memref<16384xi32, #tpu.memory_space<vmem>>, vector<16xi32>,
      %add3A_153 = arith.constant 112 : i32
      %add3A_154 = arith.addi %mul3A_125, %add3A_153 : i32
      %get3A_155 = arith.index_cast %add3A_154 : i32 to index
      %get3A_156 = tpu.vector_load %arg6[%get3A_155] {strides = array<i32>} : memref<16384xi32, #tpu.memory_space<vmem>>, vector<16xi32>,
      %sub3A = vector.broadcast %multiple_of3A : i32 to vector<16xi32>
      %sub3A_157 = arith.subi %get3A_128, %sub3A : vector<16xi32>
      %sub3A_158 = vector.broadcast %multiple_of3A : i32 to vector<16xi32>
      %sub3A_159 = arith.subi %get3A_132, %sub3A_158 : vector<16xi32>
      %sub3A_160 = vector.broadcast %multiple_of3A : i32 to vector<16xi32>
      %sub3A_161 = arith.subi %get3A_136, %sub3A_160 : vector<16xi32>
      %sub3A_162 = vector.broadcast %multiple_of3A : i32 to vector<16xi32>
      %sub3A_163 = arith.subi %get3A_140, %sub3A_162 : vector<16xi32>
      %sub3A_164 = vector.broadcast %multiple_of3A : i32 to vector<16xi32>
      %sub3A_165 = arith.subi %get3A_144, %sub3A_164 : vector<16xi32>
      %sub3A_166 = vector.broadcast %multiple_of3A : i32 to vector<16xi32>
      %sub3A_167 = arith.subi %get3A_148, %sub3A_166 : vector<16xi32>
      %sub3A_168 = vector.broadcast %multiple_of3A : i32 to vector<16xi32>
      %sub3A_169 = arith.subi %get3A_152, %sub3A_168 : vector<16xi32>
      %sub3A_170 = vector.broadcast %multiple_of3A : i32 to vector<16xi32>
      %sub3A_171 = arith.subi %get3A_156, %sub3A_170 : vector<16xi32>
      %lt3A = vector.broadcast %scan3A_1 : i32 to vector<16xi32>
      %lt3A_172 = arith.cmpi ult, %sub3A_157, %lt3A : vector<16xi32>
      %lt3A_173 = vector.broadcast %scan3A_1 : i32 to vector<16xi32>
      %lt3A_174 = arith.cmpi ult, %sub3A_159, %lt3A_173 : vector<16xi32>
      %lt3A_175 = vector.broadcast %scan3A_1 : i32 to vector<16xi32>
      %lt3A_176 = arith.cmpi ult, %sub3A_161, %lt3A_175 : vector<16xi32>
      %lt3A_177 = vector.broadcast %scan3A_1 : i32 to vector<16xi32>
      %lt3A_178 = arith.cmpi ult, %sub3A_163, %lt3A_177 : vector<16xi32>
      %lt3A_179 = vector.broadcast %scan3A_1 : i32 to vector<16xi32>
      %lt3A_180 = arith.cmpi ult, %sub3A_165, %lt3A_179 : vector<16xi32>
      %lt3A_181 = vector.broadcast %scan3A_1 : i32 to vector<16xi32>
      %lt3A_182 = arith.cmpi ult, %sub3A_167, %lt3A_181 : vector<16xi32>
      %lt3A_183 = vector.broadcast %scan3A_1 : i32 to vector<16xi32>
      %lt3A_184 = arith.cmpi ult, %sub3A_169, %lt3A_183 : vector<16xi32>
      %lt3A_185 = vector.broadcast %scan3A_1 : i32 to vector<16xi32>
      %lt3A_186 = arith.cmpi ult, %sub3A_171, %lt3A_185 : vector<16xi32>
      %mul3A_187 = arith.constant 8 : i32
      %mul3A_188 = arith.muli %scan3A_123, %mul3A_187 : i32
      %add3A_189 = arith.constant 0 : i32
      %add3A_190 = arith.addi %mul3A_188, %add3A_189 : i32
      %broadcast_in_dim3A = vector.broadcast %add3A_190 : i32 to vector<16xi32>
      tpu.vector_store_idx %arg7[%sub3A_157], %broadcast_in_dim3A masked %lt3A_172 : memref<62592xi32, #tpu.memory_space<vmem>>[vector<16xi32>], vector<16xi32>, vector<16xi1>
      %mul3A_191 = arith.constant 8 : i32
      %mul3A_192 = arith.muli %scan3A_123, %mul3A_191 : i32
      %add3A_193 = arith.constant 1 : i32
      %add3A_194 = arith.addi %mul3A_192, %add3A_193 : i32
      %broadcast_in_dim3A_195 = vector.broadcast %add3A_194 : i32 to vector<16xi32>
      tpu.vector_store_idx %arg7[%sub3A_159], %broadcast_in_dim3A_195 masked %lt3A_174 : memref<62592xi32, #tpu.memory_space<vmem>>[vector<16xi32>], vector<16xi32>, vector<16xi1>
      %mul3A_196 = arith.constant 8 : i32
      %mul3A_197 = arith.muli %scan3A_123, %mul3A_196 : i32
      %add3A_198 = arith.constant 2 : i32
      %add3A_199 = arith.addi %mul3A_197, %add3A_198 : i32
      %broadcast_in_dim3A_200 = vector.broadcast %add3A_199 : i32 to vector<16xi32>
      tpu.vector_store_idx %arg7[%sub3A_161], %broadcast_in_dim3A_200 masked %lt3A_176 : memref<62592xi32, #tpu.memory_space<vmem>>[vector<16xi32>], vector<16xi32>, vector<16xi1>
      %mul3A_201 = arith.constant 8 : i32
      %mul3A_202 = arith.muli %scan3A_123, %mul3A_201 : i32
      %add3A_203 = arith.constant 3 : i32
      %add3A_204 = arith.addi %mul3A_202, %add3A_203 : i32
      %broadcast_in_dim3A_205 = vector.broadcast %add3A_204 : i32 to vector<16xi32>
      tpu.vector_store_idx %arg7[%sub3A_163], %broadcast_in_dim3A_205 masked %lt3A_178 : memref<62592xi32, #tpu.memory_space<vmem>>[vector<16xi32>], vector<16xi32>, vector<16xi1>
      %mul3A_206 = arith.constant 8 : i32
      %mul3A_207 = arith.muli %scan3A_123, %mul3A_206 : i32
      %add3A_208 = arith.constant 4 : i32
      %add3A_209 = arith.addi %mul3A_207, %add3A_208 : i32
      %broadcast_in_dim3A_210 = vector.broadcast %add3A_209 : i32 to vector<16xi32>
      tpu.vector_store_idx %arg7[%sub3A_165], %broadcast_in_dim3A_210 masked %lt3A_180 : memref<62592xi32, #tpu.memory_space<vmem>>[vector<16xi32>], vector<16xi32>, vector<16xi1>
      %mul3A_211 = arith.constant 8 : i32
      %mul3A_212 = arith.muli %scan3A_123, %mul3A_211 : i32
      %add3A_213 = arith.constant 5 : i32
      %add3A_214 = arith.addi %mul3A_212, %add3A_213 : i32
      %broadcast_in_dim3A_215 = vector.broadcast %add3A_214 : i32 to vector<16xi32>
      tpu.vector_store_idx %arg7[%sub3A_167], %broadcast_in_dim3A_215 masked %lt3A_182 : memref<62592xi32, #tpu.memory_space<vmem>>[vector<16xi32>], vector<16xi32>, vector<16xi1>
      %mul3A_216 = arith.constant 8 : i32
      %mul3A_217 = arith.muli %scan3A_123, %mul3A_216 : i32
      %add3A_218 = arith.constant 6 : i32
      %add3A_219 = arith.addi %mul3A_217, %add3A_218 : i32
      %broadcast_in_dim3A_220 = vector.broadcast %add3A_219 : i32 to vector<16xi32>
      tpu.vector_store_idx %arg7[%sub3A_169], %broadcast_in_dim3A_220 masked %lt3A_184 : memref<62592xi32, #tpu.memory_space<vmem>>[vector<16xi32>], vector<16xi32>, vector<16xi1>
      %mul3A_221 = arith.constant 8 : i32
      %mul3A_222 = arith.muli %scan3A_123, %mul3A_221 : i32
      %add3A_223 = arith.constant 7 : i32
      %add3A_224 = arith.addi %mul3A_222, %add3A_223 : i32
      %broadcast_in_dim3A_225 = vector.broadcast %add3A_224 : i32 to vector<16xi32>
      tpu.vector_store_idx %arg7[%sub3A_171], %broadcast_in_dim3A_225 masked %lt3A_186 : memref<62592xi32, #tpu.memory_space<vmem>>[vector<16xi32>], vector<16xi32>, vector<16xi1>
    }
    %scan3A_6 = arith.constant 128 : i32
    "tpu.trace_stop"() : () -> ()
    %mul3A_7 = arith.constant 1001472 : i32
    %mul3A_8 = arith.muli %arg0, %mul3A_7 : i32
    %multiple_of3A_9 = tpu.assume_multiple %mul3A_8, 128 : i32
    "tpu.trace_start"() <{level = 10 : i32, message = "dump"}> : () -> ()
    "tpu.region"() ({
      %run_scoped3A = tpu.sem_alloc : memref<!tpu.dma_semaphore, #tpu.memory_space<semaphore_mem>>
      %dma_start3A_123 = tpu.memref_slice %arg5[%multiple_of3A_9] : memref<2002944xi32, #tpu.memory_space<hbm>> -> memref<1001472xi32, #tpu.memory_space<hbm>>
      %dma_start3A_124 = tpu.memref_slice %dma_start3A_123[%multiple_of3A] : memref<1001472xi32, #tpu.memory_space<hbm>> -> memref<62592xi32, #tpu.memory_space<hbm>>
      %dma_start3A_125 = tpu.memref_slice %arg5[%multiple_of3A_9] : memref<2002944xi32, #tpu.memory_space<hbm>> -> memref<1001472xi32, #tpu.memory_space<hbm>>
      %dma_start3A_126 = tpu.memref_slice %dma_start3A_125[%multiple_of3A] : memref<1001472xi32, #tpu.memory_space<hbm>> -> memref<62592xi32, #tpu.memory_space<hbm>>
      tpu.enqueue_dma source(%arg7 : memref<62592xi32, #tpu.memory_space<vmem>>) target(%dma_start3A_126 : memref<62592xi32, #tpu.memory_space<hbm>>) target_semaphore(%run_scoped3A : memref<!tpu.dma_semaphore, #tpu.memory_space<semaphore_mem>>)
      %dma_wait3A_127 = tpu.memref_slice %arg5[%multiple_of3A_9] : memref<2002944xi32, #tpu.memory_space<hbm>> -> memref<1001472xi32, #tpu.memory_space<hbm>>
      %dma_wait3A_128 = tpu.memref_slice %dma_wait3A_127[%multiple_of3A] : memref<1001472xi32, #tpu.memory_space<hbm>> -> memref<62592xi32, #tpu.memory_space<hbm>>
      %dma_wait3A_129 = tpu.memref_slice %arg5[%multiple_of3A_9] : memref<2002944xi32, #tpu.memory_space<hbm>> -> memref<1001472xi32, #tpu.memory_space<hbm>>
      %dma_wait3A_130 = tpu.memref_slice %dma_wait3A_129[%multiple_of3A] : memref<1001472xi32, #tpu.memory_space<hbm>> -> memref<62592xi32, #tpu.memory_space<hbm>>
      tpu.wait_dma2 semaphore(%run_scoped3A : memref<!tpu.dma_semaphore, #tpu.memory_space<semaphore_mem>>) src(%arg7 : memref<62592xi32, #tpu.memory_space<vmem>>) dst(%dma_wait3A_130 : memref<62592xi32, #tpu.memory_space<hbm>>)
      tpu.yield
    }) : () -> ()
    %barrier3A = arith.constant 0 : index
    tpu.barrier barrier_id(%barrier3A)
    "tpu.trace_stop"() : () -> ()
    %mul3A_10 = arith.constant 16 : i32
    %mul3A_11 = arith.muli %arg0, %mul3A_10 : i32
    %add3A = arith.addi %mul3A_11, %arg1 : i32
    %mul3A_12 = arith.constant 512 : i32
    %mul3A_13 = arith.muli %add3A, %mul3A_12 : i32
    %multiple_of3A_14 = tpu.assume_multiple %mul3A_13, 128 : i32
    "tpu.trace_start"() <{level = 10 : i32, message = "wgather"}> : () -> ()
    %add3A_15 = arith.constant 0 : i32
    %add3A_16 = arith.addi %multiple_of3A_14, %add3A_15 : i32
    %dma_start3A = arith.constant 0 : i32
    %dma_start3A_17 = tpu.memref_slice %arg8[%dma_start3A] : memref<512xi32, #tpu.memory_space<vmem>> -> memref<128xi32, #tpu.memory_space<vmem>>
    %dma_start3A_18 = tpu.memref_slice %arg6[%add3A_16] : memref<16384xi32, #tpu.memory_space<vmem>> -> memref<128xi32, #tpu.memory_space<vmem>>
    %dma_start3A_19 = tpu.memref_slice %arg5[%multiple_of3A_9] : memref<2002944xi32, #tpu.memory_space<hbm>> -> memref<1001472xi32, #tpu.memory_space<hbm>>
    %dma_start3A_20 = arith.constant 0 : i32
    %dma_start3A_21 = tpu.memref_slice %dma_start3A_19[%dma_start3A_20] : memref<1001472xi32, #tpu.memory_space<hbm>> -> memref<1001472xi32, #tpu.memory_space<hbm>>
    tpu.enqueue_indirect_dma source(%dma_start3A_21 : memref<1001472xi32, #tpu.memory_space<hbm>>) target(%dma_start3A_17 : memref<128xi32, #tpu.memory_space<vmem>>) offsets(%dma_start3A_18 : memref<128xi32, #tpu.memory_space<vmem>>) semaphore(%arg11 : memref<!tpu.dma_semaphore, #tpu.memory_space<semaphore_mem>>)
    %add3A_22 = arith.constant 128 : i32
    %add3A_23 = arith.addi %multiple_of3A_14, %add3A_22 : i32
    %dma_start3A_24 = arith.constant 128 : i32
    %dma_start3A_25 = tpu.memref_slice %arg8[%dma_start3A_24] : memref<512xi32, #tpu.memory_space<vmem>> -> memref<128xi32, #tpu.memory_space<vmem>>
    %dma_start3A_26 = tpu.memref_slice %arg6[%add3A_23] : memref<16384xi32, #tpu.memory_space<vmem>> -> memref<128xi32, #tpu.memory_space<vmem>>
    %dma_start3A_27 = tpu.memref_slice %arg5[%multiple_of3A_9] : memref<2002944xi32, #tpu.memory_space<hbm>> -> memref<1001472xi32, #tpu.memory_space<hbm>>
    %dma_start3A_28 = arith.constant 0 : i32
    %dma_start3A_29 = tpu.memref_slice %dma_start3A_27[%dma_start3A_28] : memref<1001472xi32, #tpu.memory_space<hbm>> -> memref<1001472xi32, #tpu.memory_space<hbm>>
    tpu.enqueue_indirect_dma source(%dma_start3A_29 : memref<1001472xi32, #tpu.memory_space<hbm>>) target(%dma_start3A_25 : memref<128xi32, #tpu.memory_space<vmem>>) offsets(%dma_start3A_26 : memref<128xi32, #tpu.memory_space<vmem>>) semaphore(%arg11 : memref<!tpu.dma_semaphore, #tpu.memory_space<semaphore_mem>>)
    %add3A_30 = arith.constant 256 : i32
    %add3A_31 = arith.addi %multiple_of3A_14, %add3A_30 : i32
    %dma_start3A_32 = arith.constant 256 : i32
    %dma_start3A_33 = tpu.memref_slice %arg8[%dma_start3A_32] : memref<512xi32, #tpu.memory_space<vmem>> -> memref<128xi32, #tpu.memory_space<vmem>>
    %dma_start3A_34 = tpu.memref_slice %arg6[%add3A_31] : memref<16384xi32, #tpu.memory_space<vmem>> -> memref<128xi32, #tpu.memory_space<vmem>>
    %dma_start3A_35 = tpu.memref_slice %arg5[%multiple_of3A_9] : memref<2002944xi32, #tpu.memory_space<hbm>> -> memref<1001472xi32, #tpu.memory_space<hbm>>
    %dma_start3A_36 = arith.constant 0 : i32
    %dma_start3A_37 = tpu.memref_slice %dma_start3A_35[%dma_start3A_36] : memref<1001472xi32, #tpu.memory_space<hbm>> -> memref<1001472xi32, #tpu.memory_space<hbm>>
    tpu.enqueue_indirect_dma source(%dma_start3A_37 : memref<1001472xi32, #tpu.memory_space<hbm>>) target(%dma_start3A_33 : memref<128xi32, #tpu.memory_space<vmem>>) offsets(%dma_start3A_34 : memref<128xi32, #tpu.memory_space<vmem>>) semaphore(%arg11 : memref<!tpu.dma_semaphore, #tpu.memory_space<semaphore_mem>>)
    %add3A_38 = arith.constant 384 : i32
    %add3A_39 = arith.addi %multiple_of3A_14, %add3A_38 : i32
    %dma_start3A_40 = arith.constant 384 : i32
    %dma_start3A_41 = tpu.memref_slice %arg8[%dma_start3A_40] : memref<512xi32, #tpu.memory_space<vmem>> -> memref<128xi32, #tpu.memory_space<vmem>>
    %dma_start3A_42 = tpu.memref_slice %arg6[%add3A_39] : memref<16384xi32, #tpu.memory_space<vmem>> -> memref<128xi32, #tpu.memory_space<vmem>>
    %dma_start3A_43 = tpu.memref_slice %arg5[%multiple_of3A_9] : memref<2002944xi32, #tpu.memory_space<hbm>> -> memref<1001472xi32, #tpu.memory_space<hbm>>
    %dma_start3A_44 = arith.constant 0 : i32
    %dma_start3A_45 = tpu.memref_slice %dma_start3A_43[%dma_start3A_44] : memref<1001472xi32, #tpu.memory_space<hbm>> -> memref<1001472xi32, #tpu.memory_space<hbm>>
    tpu.enqueue_indirect_dma source(%dma_start3A_45 : memref<1001472xi32, #tpu.memory_space<hbm>>) target(%dma_start3A_41 : memref<128xi32, #tpu.memory_space<vmem>>) offsets(%dma_start3A_42 : memref<128xi32, #tpu.memory_space<vmem>>) semaphore(%arg11 : memref<!tpu.dma_semaphore, #tpu.memory_space<semaphore_mem>>)
    %dma_wait3A = arith.constant 0 : i32
    %dma_wait3A_46 = tpu.memref_slice %arg8[%dma_wait3A] : memref<512xi32, #tpu.memory_space<vmem>> -> memref<128xi32, #tpu.memory_space<vmem>>
    %dma_wait3A_47 = tpu.memref_slice %arg6[%add3A_16] : memref<16384xi32, #tpu.memory_space<vmem>> -> memref<128xi32, #tpu.memory_space<vmem>>
    %dma_wait3A_48 = tpu.memref_slice %arg5[%multiple_of3A_9] : memref<2002944xi32, #tpu.memory_space<hbm>> -> memref<1001472xi32, #tpu.memory_space<hbm>>
    %dma_wait3A_49 = arith.constant 0 : i32
    %dma_wait3A_50 = tpu.memref_slice %dma_wait3A_48[%dma_wait3A_49] : memref<1001472xi32, #tpu.memory_space<hbm>> -> memref<1001472xi32, #tpu.memory_space<hbm>>
    tpu.wait_indirect_dma semaphore(%arg11 : memref<!tpu.dma_semaphore, #tpu.memory_space<semaphore_mem>>) src(%dma_wait3A_50 : memref<1001472xi32, #tpu.memory_space<hbm>>) dst(%dma_wait3A_46 : memref<128xi32, #tpu.memory_space<vmem>>)
    %dma_wait3A_51 = arith.constant 128 : i32
    %dma_wait3A_52 = tpu.memref_slice %arg8[%dma_wait3A_51] : memref<512xi32, #tpu.memory_space<vmem>> -> memref<128xi32, #tpu.memory_space<vmem>>
    %dma_wait3A_53 = tpu.memref_slice %arg6[%add3A_23] : memref<16384xi32, #tpu.memory_space<vmem>> -> memref<128xi32, #tpu.memory_space<vmem>>
    %dma_wait3A_54 = tpu.memref_slice %arg5[%multiple_of3A_9] : memref<2002944xi32, #tpu.memory_space<hbm>> -> memref<1001472xi32, #tpu.memory_space<hbm>>
    %dma_wait3A_55 = arith.constant 0 : i32
    %dma_wait3A_56 = tpu.memref_slice %dma_wait3A_54[%dma_wait3A_55] : memref<1001472xi32, #tpu.memory_space<hbm>> -> memref<1001472xi32, #tpu.memory_space<hbm>>
    tpu.wait_indirect_dma semaphore(%arg11 : memref<!tpu.dma_semaphore, #tpu.memory_space<semaphore_mem>>) src(%dma_wait3A_56 : memref<1001472xi32, #tpu.memory_space<hbm>>) dst(%dma_wait3A_52 : memref<128xi32, #tpu.memory_space<vmem>>)
    %dma_wait3A_57 = arith.constant 256 : i32
    %dma_wait3A_58 = tpu.memref_slice %arg8[%dma_wait3A_57] : memref<512xi32, #tpu.memory_space<vmem>> -> memref<128xi32, #tpu.memory_space<vmem>>
    %dma_wait3A_59 = tpu.memref_slice %arg6[%add3A_31] : memref<16384xi32, #tpu.memory_space<vmem>> -> memref<128xi32, #tpu.memory_space<vmem>>
    %dma_wait3A_60 = tpu.memref_slice %arg5[%multiple_of3A_9] : memref<2002944xi32, #tpu.memory_space<hbm>> -> memref<1001472xi32, #tpu.memory_space<hbm>>
    %dma_wait3A_61 = arith.constant 0 : i32
    %dma_wait3A_62 = tpu.memref_slice %dma_wait3A_60[%dma_wait3A_61] : memref<1001472xi32, #tpu.memory_space<hbm>> -> memref<1001472xi32, #tpu.memory_space<hbm>>
    tpu.wait_indirect_dma semaphore(%arg11 : memref<!tpu.dma_semaphore, #tpu.memory_space<semaphore_mem>>) src(%dma_wait3A_62 : memref<1001472xi32, #tpu.memory_space<hbm>>) dst(%dma_wait3A_58 : memref<128xi32, #tpu.memory_space<vmem>>)
    %dma_wait3A_63 = arith.constant 384 : i32
    %dma_wait3A_64 = tpu.memref_slice %arg8[%dma_wait3A_63] : memref<512xi32, #tpu.memory_space<vmem>> -> memref<128xi32, #tpu.memory_space<vmem>>
    %dma_wait3A_65 = tpu.memref_slice %arg6[%add3A_39] : memref<16384xi32, #tpu.memory_space<vmem>> -> memref<128xi32, #tpu.memory_space<vmem>>
    %dma_wait3A_66 = tpu.memref_slice %arg5[%multiple_of3A_9] : memref<2002944xi32, #tpu.memory_space<hbm>> -> memref<1001472xi32, #tpu.memory_space<hbm>>
    %dma_wait3A_67 = arith.constant 0 : i32
    %dma_wait3A_68 = tpu.memref_slice %dma_wait3A_66[%dma_wait3A_67] : memref<1001472xi32, #tpu.memory_space<hbm>> -> memref<1001472xi32, #tpu.memory_space<hbm>>
    tpu.wait_indirect_dma semaphore(%arg11 : memref<!tpu.dma_semaphore, #tpu.memory_space<semaphore_mem>>) src(%dma_wait3A_68 : memref<1001472xi32, #tpu.memory_space<hbm>>) dst(%dma_wait3A_64 : memref<128xi32, #tpu.memory_space<vmem>>)
    "tpu.trace_stop"() : () -> ()
    "tpu.trace_start"() <{level = 10 : i32, message = "resolve"}> : () -> ()
    %scan3A_69 = arith.constant 0 : i32
    %scan3A_70 = arith.constant 0 : i32
    %scan3A_71 = arith.constant 32 : i32
    %scan3A_72 = arith.addi %scan3A_70, %scan3A_71 : i32
    %scan3A_73 = arith.constant 1 : i32
    scf.for %scan3A_123 = %scan3A_70 to %scan3A_72 step %scan3A_73  : i32 {
      %mul3A_124 = arith.constant 16 : i32
      %mul3A_125 = arith.muli %scan3A_123, %mul3A_124 : i32
      %add3A_126 = arith.addi %multiple_of3A_14, %mul3A_125 : i32
      %get3A = arith.index_cast %add3A_126 : i32 to index
      %get3A_127 = tpu.vector_load %arg6[%get3A] {strides = array<i32>} : memref<16384xi32, #tpu.memory_space<vmem>>, vector<16xi32>,
      %mul3A_128 = arith.constant 16 : i32
      %mul3A_129 = arith.muli %scan3A_123, %mul3A_128 : i32
      %get3A_130 = arith.index_cast %mul3A_129 : i32 to index
      %get3A_131 = tpu.vector_load %arg8[%get3A_130] {strides = array<i32>} : memref<512xi32, #tpu.memory_space<vmem>>, vector<16xi32>,
      %mul3A_132 = arith.constant 16 : i32
      %mul3A_133 = vector.broadcast %mul3A_132 : i32 to vector<16xi32>
      %mul3A_134 = arith.muli %get3A_131, %mul3A_133 : vector<16xi32>
      %add3A_135 = arith.constant 0 : i32
      %add3A_136 = vector.broadcast %add3A_135 : i32 to vector<16xi32>
      %add3A_137 = arith.addi %mul3A_134, %add3A_136 : vector<16xi32>
      %gather3A = tpu.vector_load_idx %arg6[%add3A_137] : memref<16384xi32, #tpu.memory_space<vmem>>[vector<16xi32>], vector<16xi32>,
      %eq3A = arith.cmpi eq, %gather3A, %get3A_127 : vector<16xi32>
      %add3A_138 = arith.constant 0 : i32
      %add3A_139 = vector.broadcast %add3A_138 : i32 to vector<16xi32>
      %add3A_140 = arith.addi %mul3A_134, %add3A_139 : vector<16xi32>
      %select_n3A = arith.select %eq3A, %add3A_140, %mul3A_134 : vector<16xi1>, vector<16xi32>
      %add3A_141 = arith.constant 1 : i32
      %add3A_142 = vector.broadcast %add3A_141 : i32 to vector<16xi32>
      %add3A_143 = arith.addi %mul3A_134, %add3A_142 : vector<16xi32>
      %gather3A_144 = tpu.vector_load_idx %arg6[%add3A_143] : memref<16384xi32, #tpu.memory_space<vmem>>[vector<16xi32>], vector<16xi32>,
      %eq3A_145 = arith.cmpi eq, %gather3A_144, %get3A_127 : vector<16xi32>
      %add3A_146 = arith.constant 1 : i32
      %add3A_147 = vector.broadcast %add3A_146 : i32 to vector<16xi32>
      %add3A_148 = arith.addi %mul3A_134, %add3A_147 : vector<16xi32>
      %select_n3A_149 = arith.select %eq3A_145, %add3A_148, %select_n3A : vector<16xi1>, vector<16xi32>
      %add3A_150 = arith.constant 2 : i32
      %add3A_151 = vector.broadcast %add3A_150 : i32 to vector<16xi32>
      %add3A_152 = arith.addi %mul3A_134, %add3A_151 : vector<16xi32>
      %gather3A_153 = tpu.vector_load_idx %arg6[%add3A_152] : memref<16384xi32, #tpu.memory_space<vmem>>[vector<16xi32>], vector<16xi32>,
      %eq3A_154 = arith.cmpi eq, %gather3A_153, %get3A_127 : vector<16xi32>
      %add3A_155 = arith.constant 2 : i32
      %add3A_156 = vector.broadcast %add3A_155 : i32 to vector<16xi32>
      %add3A_157 = arith.addi %mul3A_134, %add3A_156 : vector<16xi32>
      %select_n3A_158 = arith.select %eq3A_154, %add3A_157, %select_n3A_149 : vector<16xi1>, vector<16xi32>
      %add3A_159 = arith.constant 3 : i32
      %add3A_160 = vector.broadcast %add3A_159 : i32 to vector<16xi32>
      %add3A_161 = arith.addi %mul3A_134, %add3A_160 : vector<16xi32>
      %gather3A_162 = tpu.vector_load_idx %arg6[%add3A_161] : memref<16384xi32, #tpu.memory_space<vmem>>[vector<16xi32>], vector<16xi32>,
      %eq3A_163 = arith.cmpi eq, %gather3A_162, %get3A_127 : vector<16xi32>
      %add3A_164 = arith.constant 3 : i32
      %add3A_165 = vector.broadcast %add3A_164 : i32 to vector<16xi32>
      %add3A_166 = arith.addi %mul3A_134, %add3A_165 : vector<16xi32>
      %select_n3A_167 = arith.select %eq3A_163, %add3A_166, %select_n3A_158 : vector<16xi1>, vector<16xi32>
      %add3A_168 = arith.constant 4 : i32
      %add3A_169 = vector.broadcast %add3A_168 : i32 to vector<16xi32>
      %add3A_170 = arith.addi %mul3A_134, %add3A_169 : vector<16xi32>
      %gather3A_171 = tpu.vector_load_idx %arg6[%add3A_170] : memref<16384xi32, #tpu.memory_space<vmem>>[vector<16xi32>], vector<16xi32>,
      %eq3A_172 = arith.cmpi eq, %gather3A_171, %get3A_127 : vector<16xi32>
      %add3A_173 = arith.constant 4 : i32
      %add3A_174 = vector.broadcast %add3A_173 : i32 to vector<16xi32>
      %add3A_175 = arith.addi %mul3A_134, %add3A_174 : vector<16xi32>
      %select_n3A_176 = arith.select %eq3A_172, %add3A_175, %select_n3A_167 : vector<16xi1>, vector<16xi32>
      %add3A_177 = arith.constant 5 : i32
      %add3A_178 = vector.broadcast %add3A_177 : i32 to vector<16xi32>
      %add3A_179 = arith.addi %mul3A_134, %add3A_178 : vector<16xi32>
      %gather3A_180 = tpu.vector_load_idx %arg6[%add3A_179] : memref<16384xi32, #tpu.memory_space<vmem>>[vector<16xi32>], vector<16xi32>,
      %eq3A_181 = arith.cmpi eq, %gather3A_180, %get3A_127 : vector<16xi32>
      %add3A_182 = arith.constant 5 : i32
      %add3A_183 = vector.broadcast %add3A_182 : i32 to vector<16xi32>
      %add3A_184 = arith.addi %mul3A_134, %add3A_183 : vector<16xi32>
      %select_n3A_185 = arith.select %eq3A_181, %add3A_184, %select_n3A_176 : vector<16xi1>, vector<16xi32>
      %add3A_186 = arith.constant 6 : i32
      %add3A_187 = vector.broadcast %add3A_186 : i32 to vector<16xi32>
      %add3A_188 = arith.addi %mul3A_134, %add3A_187 : vector<16xi32>
      %gather3A_189 = tpu.vector_load_idx %arg6[%add3A_188] : memref<16384xi32, #tpu.memory_space<vmem>>[vector<16xi32>], vector<16xi32>,
      %eq3A_190 = arith.cmpi eq, %gather3A_189, %get3A_127 : vector<16xi32>
      %add3A_191 = arith.constant 6 : i32
      %add3A_192 = vector.broadcast %add3A_191 : i32 to vector<16xi32>
      %add3A_193 = arith.addi %mul3A_134, %add3A_192 : vector<16xi32>
      %select_n3A_194 = arith.select %eq3A_190, %add3A_193, %select_n3A_185 : vector<16xi1>, vector<16xi32>
      %add3A_195 = arith.constant 7 : i32
      %add3A_196 = vector.broadcast %add3A_195 : i32 to vector<16xi32>
      %add3A_197 = arith.addi %mul3A_134, %add3A_196 : vector<16xi32>
      %gather3A_198 = tpu.vector_load_idx %arg6[%add3A_197] : memref<16384xi32, #tpu.memory_space<vmem>>[vector<16xi32>], vector<16xi32>,
      %eq3A_199 = arith.cmpi eq, %gather3A_198, %get3A_127 : vector<16xi32>
      %add3A_200 = arith.constant 7 : i32
      %add3A_201 = vector.broadcast %add3A_200 : i32 to vector<16xi32>
      %add3A_202 = arith.addi %mul3A_134, %add3A_201 : vector<16xi32>
      %select_n3A_203 = arith.select %eq3A_199, %add3A_202, %select_n3A_194 : vector<16xi1>, vector<16xi32>
      %add3A_204 = arith.constant 8 : i32
      %add3A_205 = vector.broadcast %add3A_204 : i32 to vector<16xi32>
      %add3A_206 = arith.addi %mul3A_134, %add3A_205 : vector<16xi32>
      %gather3A_207 = tpu.vector_load_idx %arg6[%add3A_206] : memref<16384xi32, #tpu.memory_space<vmem>>[vector<16xi32>], vector<16xi32>,
      %eq3A_208 = arith.cmpi eq, %gather3A_207, %get3A_127 : vector<16xi32>
      %add3A_209 = arith.constant 8 : i32
      %add3A_210 = vector.broadcast %add3A_209 : i32 to vector<16xi32>
      %add3A_211 = arith.addi %mul3A_134, %add3A_210 : vector<16xi32>
      %select_n3A_212 = arith.select %eq3A_208, %add3A_211, %select_n3A_203 : vector<16xi1>, vector<16xi32>
      %add3A_213 = arith.constant 9 : i32
      %add3A_214 = vector.broadcast %add3A_213 : i32 to vector<16xi32>
      %add3A_215 = arith.addi %mul3A_134, %add3A_214 : vector<16xi32>
      %gather3A_216 = tpu.vector_load_idx %arg6[%add3A_215] : memref<16384xi32, #tpu.memory_space<vmem>>[vector<16xi32>], vector<16xi32>,
      %eq3A_217 = arith.cmpi eq, %gather3A_216, %get3A_127 : vector<16xi32>
      %add3A_218 = arith.constant 9 : i32
      %add3A_219 = vector.broadcast %add3A_218 : i32 to vector<16xi32>
      %add3A_220 = arith.addi %mul3A_134, %add3A_219 : vector<16xi32>
      %select_n3A_221 = arith.select %eq3A_217, %add3A_220, %select_n3A_212 : vector<16xi1>, vector<16xi32>
      %add3A_222 = arith.constant 10 : i32
      %add3A_223 = vector.broadcast %add3A_222 : i32 to vector<16xi32>
      %add3A_224 = arith.addi %mul3A_134, %add3A_223 : vector<16xi32>
      %gather3A_225 = tpu.vector_load_idx %arg6[%add3A_224] : memref<16384xi32, #tpu.memory_space<vmem>>[vector<16xi32>], vector<16xi32>,
      %eq3A_226 = arith.cmpi eq, %gather3A_225, %get3A_127 : vector<16xi32>
      %add3A_227 = arith.constant 10 : i32
      %add3A_228 = vector.broadcast %add3A_227 : i32 to vector<16xi32>
      %add3A_229 = arith.addi %mul3A_134, %add3A_228 : vector<16xi32>
      %select_n3A_230 = arith.select %eq3A_226, %add3A_229, %select_n3A_221 : vector<16xi1>, vector<16xi32>
      %add3A_231 = arith.constant 11 : i32
      %add3A_232 = vector.broadcast %add3A_231 : i32 to vector<16xi32>
      %add3A_233 = arith.addi %mul3A_134, %add3A_232 : vector<16xi32>
      %gather3A_234 = tpu.vector_load_idx %arg6[%add3A_233] : memref<16384xi32, #tpu.memory_space<vmem>>[vector<16xi32>], vector<16xi32>,
      %eq3A_235 = arith.cmpi eq, %gather3A_234, %get3A_127 : vector<16xi32>
      %add3A_236 = arith.constant 11 : i32
      %add3A_237 = vector.broadcast %add3A_236 : i32 to vector<16xi32>
      %add3A_238 = arith.addi %mul3A_134, %add3A_237 : vector<16xi32>
      %select_n3A_239 = arith.select %eq3A_235, %add3A_238, %select_n3A_230 : vector<16xi1>, vector<16xi32>
      %add3A_240 = arith.constant 12 : i32
      %add3A_241 = vector.broadcast %add3A_240 : i32 to vector<16xi32>
      %add3A_242 = arith.addi %mul3A_134, %add3A_241 : vector<16xi32>
      %gather3A_243 = tpu.vector_load_idx %arg6[%add3A_242] : memref<16384xi32, #tpu.memory_space<vmem>>[vector<16xi32>], vector<16xi32>,
      %eq3A_244 = arith.cmpi eq, %gather3A_243, %get3A_127 : vector<16xi32>
      %add3A_245 = arith.constant 12 : i32
      %add3A_246 = vector.broadcast %add3A_245 : i32 to vector<16xi32>
      %add3A_247 = arith.addi %mul3A_134, %add3A_246 : vector<16xi32>
      %select_n3A_248 = arith.select %eq3A_244, %add3A_247, %select_n3A_239 : vector<16xi1>, vector<16xi32>
      %add3A_249 = arith.constant 13 : i32
      %add3A_250 = vector.broadcast %add3A_249 : i32 to vector<16xi32>
      %add3A_251 = arith.addi %mul3A_134, %add3A_250 : vector<16xi32>
      %gather3A_252 = tpu.vector_load_idx %arg6[%add3A_251] : memref<16384xi32, #tpu.memory_space<vmem>>[vector<16xi32>], vector<16xi32>,
      %eq3A_253 = arith.cmpi eq, %gather3A_252, %get3A_127 : vector<16xi32>
      %add3A_254 = arith.constant 13 : i32
      %add3A_255 = vector.broadcast %add3A_254 : i32 to vector<16xi32>
      %add3A_256 = arith.addi %mul3A_134, %add3A_255 : vector<16xi32>
      %select_n3A_257 = arith.select %eq3A_253, %add3A_256, %select_n3A_248 : vector<16xi1>, vector<16xi32>
      %add3A_258 = arith.constant 14 : i32
      %add3A_259 = vector.broadcast %add3A_258 : i32 to vector<16xi32>
      %add3A_260 = arith.addi %mul3A_134, %add3A_259 : vector<16xi32>
      %gather3A_261 = tpu.vector_load_idx %arg6[%add3A_260] : memref<16384xi32, #tpu.memory_space<vmem>>[vector<16xi32>], vector<16xi32>,
      %eq3A_262 = arith.cmpi eq, %gather3A_261, %get3A_127 : vector<16xi32>
      %add3A_263 = arith.constant 14 : i32
      %add3A_264 = vector.broadcast %add3A_263 : i32 to vector<16xi32>
      %add3A_265 = arith.addi %mul3A_134, %add3A_264 : vector<16xi32>
      %select_n3A_266 = arith.select %eq3A_262, %add3A_265, %select_n3A_257 : vector<16xi1>, vector<16xi32>
      %add3A_267 = arith.constant 15 : i32
      %add3A_268 = vector.broadcast %add3A_267 : i32 to vector<16xi32>
      %add3A_269 = arith.addi %mul3A_134, %add3A_268 : vector<16xi32>
      %gather3A_270 = tpu.vector_load_idx %arg6[%add3A_269] : memref<16384xi32, #tpu.memory_space<vmem>>[vector<16xi32>], vector<16xi32>,
      %eq3A_271 = arith.cmpi eq, %gather3A_270, %get3A_127 : vector<16xi32>
      %add3A_272 = arith.constant 15 : i32
      %add3A_273 = vector.broadcast %add3A_272 : i32 to vector<16xi32>
      %add3A_274 = arith.addi %mul3A_134, %add3A_273 : vector<16xi32>
      %select_n3A_275 = arith.select %eq3A_271, %add3A_274, %select_n3A_266 : vector<16xi1>, vector<16xi32>
      %mul3A_276 = arith.constant 16 : i32
      %mul3A_277 = arith.muli %scan3A_123, %mul3A_276 : i32
      %swap3A = arith.index_cast %mul3A_277 : i32 to index
      %swap3A_278 = tpu.vector_load %arg9[%swap3A] {strides = array<i32>} : memref<512xi32, #tpu.memory_space<vmem>>, vector<16xi32>,
      tpu.vector_store %arg9[%swap3A], %select_n3A_275 {strides = array<i32>} : memref<512xi32, #tpu.memory_space<vmem>>, vector<16xi32>,
    }
    %scan3A_74 = arith.constant 32 : i32
    "tpu.trace_stop"() : () -> ()
    "tpu.trace_start"() <{level = 10 : i32, message = "vgather"}> : () -> ()
    %dma_start3A_75 = arith.constant 0 : i32
    %dma_start3A_76 = tpu.memref_slice %arg10[%dma_start3A_75] : memref<512xf32, #tpu.memory_space<vmem>> -> memref<128xf32, #tpu.memory_space<vmem>>
    %dma_start3A_77 = arith.constant 0 : i32
    %dma_start3A_78 = tpu.memref_slice %arg9[%dma_start3A_77] : memref<512xi32, #tpu.memory_space<vmem>> -> memref<128xi32, #tpu.memory_space<vmem>>
    %dma_start3A_79 = arith.constant 0 : i32
    %dma_start3A_80 = tpu.memref_slice %arg3[%dma_start3A_79] : memref<16384xf32, #tpu.memory_space<hbm>> -> memref<16384xf32, #tpu.memory_space<hbm>>
    tpu.enqueue_indirect_dma source(%dma_start3A_80 : memref<16384xf32, #tpu.memory_space<hbm>>) target(%dma_start3A_76 : memref<128xf32, #tpu.memory_space<vmem>>) offsets(%dma_start3A_78 : memref<128xi32, #tpu.memory_space<vmem>>) semaphore(%arg11 : memref<!tpu.dma_semaphore, #tpu.memory_space<semaphore_mem>>)
    %dma_start3A_81 = arith.constant 128 : i32
    %dma_start3A_82 = tpu.memref_slice %arg10[%dma_start3A_81] : memref<512xf32, #tpu.memory_space<vmem>> -> memref<128xf32, #tpu.memory_space<vmem>>
    %dma_start3A_83 = arith.constant 128 : i32
    %dma_start3A_84 = tpu.memref_slice %arg9[%dma_start3A_83] : memref<512xi32, #tpu.memory_space<vmem>> -> memref<128xi32, #tpu.memory_space<vmem>>
    %dma_start3A_85 = arith.constant 0 : i32
    %dma_start3A_86 = tpu.memref_slice %arg3[%dma_start3A_85] : memref<16384xf32, #tpu.memory_space<hbm>> -> memref<16384xf32, #tpu.memory_space<hbm>>
    tpu.enqueue_indirect_dma source(%dma_start3A_86 : memref<16384xf32, #tpu.memory_space<hbm>>) target(%dma_start3A_82 : memref<128xf32, #tpu.memory_space<vmem>>) offsets(%dma_start3A_84 : memref<128xi32, #tpu.memory_space<vmem>>) semaphore(%arg11 : memref<!tpu.dma_semaphore, #tpu.memory_space<semaphore_mem>>)
    %dma_start3A_87 = arith.constant 256 : i32
    %dma_start3A_88 = tpu.memref_slice %arg10[%dma_start3A_87] : memref<512xf32, #tpu.memory_space<vmem>> -> memref<128xf32, #tpu.memory_space<vmem>>
    %dma_start3A_89 = arith.constant 256 : i32
    %dma_start3A_90 = tpu.memref_slice %arg9[%dma_start3A_89] : memref<512xi32, #tpu.memory_space<vmem>> -> memref<128xi32, #tpu.memory_space<vmem>>
    %dma_start3A_91 = arith.constant 0 : i32
    %dma_start3A_92 = tpu.memref_slice %arg3[%dma_start3A_91] : memref<16384xf32, #tpu.memory_space<hbm>> -> memref<16384xf32, #tpu.memory_space<hbm>>
    tpu.enqueue_indirect_dma source(%dma_start3A_92 : memref<16384xf32, #tpu.memory_space<hbm>>) target(%dma_start3A_88 : memref<128xf32, #tpu.memory_space<vmem>>) offsets(%dma_start3A_90 : memref<128xi32, #tpu.memory_space<vmem>>) semaphore(%arg11 : memref<!tpu.dma_semaphore, #tpu.memory_space<semaphore_mem>>)
    %dma_start3A_93 = arith.constant 384 : i32
    %dma_start3A_94 = tpu.memref_slice %arg10[%dma_start3A_93] : memref<512xf32, #tpu.memory_space<vmem>> -> memref<128xf32, #tpu.memory_space<vmem>>
    %dma_start3A_95 = arith.constant 384 : i32
    %dma_start3A_96 = tpu.memref_slice %arg9[%dma_start3A_95] : memref<512xi32, #tpu.memory_space<vmem>> -> memref<128xi32, #tpu.memory_space<vmem>>
    %dma_start3A_97 = arith.constant 0 : i32
    %dma_start3A_98 = tpu.memref_slice %arg3[%dma_start3A_97] : memref<16384xf32, #tpu.memory_space<hbm>> -> memref<16384xf32, #tpu.memory_space<hbm>>
    tpu.enqueue_indirect_dma source(%dma_start3A_98 : memref<16384xf32, #tpu.memory_space<hbm>>) target(%dma_start3A_94 : memref<128xf32, #tpu.memory_space<vmem>>) offsets(%dma_start3A_96 : memref<128xi32, #tpu.memory_space<vmem>>) semaphore(%arg11 : memref<!tpu.dma_semaphore, #tpu.memory_space<semaphore_mem>>)
    %dma_wait3A_99 = arith.constant 0 : i32
    %dma_wait3A_100 = tpu.memref_slice %arg10[%dma_wait3A_99] : memref<512xf32, #tpu.memory_space<vmem>> -> memref<128xf32, #tpu.memory_space<vmem>>
    %dma_wait3A_101 = arith.constant 0 : i32
    %dma_wait3A_102 = tpu.memref_slice %arg9[%dma_wait3A_101] : memref<512xi32, #tpu.memory_space<vmem>> -> memref<128xi32, #tpu.memory_space<vmem>>
    %dma_wait3A_103 = arith.constant 0 : i32
    %dma_wait3A_104 = tpu.memref_slice %arg3[%dma_wait3A_103] : memref<16384xf32, #tpu.memory_space<hbm>> -> memref<16384xf32, #tpu.memory_space<hbm>>
    tpu.wait_indirect_dma semaphore(%arg11 : memref<!tpu.dma_semaphore, #tpu.memory_space<semaphore_mem>>) src(%dma_wait3A_104 : memref<16384xf32, #tpu.memory_space<hbm>>) dst(%dma_wait3A_100 : memref<128xf32, #tpu.memory_space<vmem>>)
    %dma_wait3A_105 = arith.constant 128 : i32
    %dma_wait3A_106 = tpu.memref_slice %arg10[%dma_wait3A_105] : memref<512xf32, #tpu.memory_space<vmem>> -> memref<128xf32, #tpu.memory_space<vmem>>
    %dma_wait3A_107 = arith.constant 128 : i32
    %dma_wait3A_108 = tpu.memref_slice %arg9[%dma_wait3A_107] : memref<512xi32, #tpu.memory_space<vmem>> -> memref<128xi32, #tpu.memory_space<vmem>>
    %dma_wait3A_109 = arith.constant 0 : i32
    %dma_wait3A_110 = tpu.memref_slice %arg3[%dma_wait3A_109] : memref<16384xf32, #tpu.memory_space<hbm>> -> memref<16384xf32, #tpu.memory_space<hbm>>
    tpu.wait_indirect_dma semaphore(%arg11 : memref<!tpu.dma_semaphore, #tpu.memory_space<semaphore_mem>>) src(%dma_wait3A_110 : memref<16384xf32, #tpu.memory_space<hbm>>) dst(%dma_wait3A_106 : memref<128xf32, #tpu.memory_space<vmem>>)
    %dma_wait3A_111 = arith.constant 256 : i32
    %dma_wait3A_112 = tpu.memref_slice %arg10[%dma_wait3A_111] : memref<512xf32, #tpu.memory_space<vmem>> -> memref<128xf32, #tpu.memory_space<vmem>>
    %dma_wait3A_113 = arith.constant 256 : i32
    %dma_wait3A_114 = tpu.memref_slice %arg9[%dma_wait3A_113] : memref<512xi32, #tpu.memory_space<vmem>> -> memref<128xi32, #tpu.memory_space<vmem>>
    %dma_wait3A_115 = arith.constant 0 : i32
    %dma_wait3A_116 = tpu.memref_slice %arg3[%dma_wait3A_115] : memref<16384xf32, #tpu.memory_space<hbm>> -> memref<16384xf32, #tpu.memory_space<hbm>>
    tpu.wait_indirect_dma semaphore(%arg11 : memref<!tpu.dma_semaphore, #tpu.memory_space<semaphore_mem>>) src(%dma_wait3A_116 : memref<16384xf32, #tpu.memory_space<hbm>>) dst(%dma_wait3A_112 : memref<128xf32, #tpu.memory_space<vmem>>)
    %dma_wait3A_117 = arith.constant 384 : i32
    %dma_wait3A_118 = tpu.memref_slice %arg10[%dma_wait3A_117] : memref<512xf32, #tpu.memory_space<vmem>> -> memref<128xf32, #tpu.memory_space<vmem>>
    %dma_wait3A_119 = arith.constant 384 : i32
    %dma_wait3A_120 = tpu.memref_slice %arg9[%dma_wait3A_119] : memref<512xi32, #tpu.memory_space<vmem>> -> memref<128xi32, #tpu.memory_space<vmem>>
    %dma_wait3A_121 = arith.constant 0 : i32
    %dma_wait3A_122 = tpu.memref_slice %arg3[%dma_wait3A_121] : memref<16384xf32, #tpu.memory_space<hbm>> -> memref<16384xf32, #tpu.memory_space<hbm>>
    tpu.wait_indirect_dma semaphore(%arg11 : memref<!tpu.dma_semaphore, #tpu.memory_space<semaphore_mem>>) src(%dma_wait3A_122 : memref<16384xf32, #tpu.memory_space<hbm>>) dst(%dma_wait3A_118 : memref<128xf32, #tpu.memory_space<vmem>>)
    "tpu.trace_stop"() : () -> ()
    "tpu.trace_start"() <{level = 10 : i32, message = "out"}> : () -> ()
    "tpu.region"() ({
      %run_scoped3A = tpu.sem_alloc : memref<!tpu.dma_semaphore, #tpu.memory_space<semaphore_mem>>
      %dma_start3A_123 = tpu.memref_slice %arg4[%multiple_of3A_14] : memref<16384xf32, #tpu.memory_space<hbm>> -> memref<512xf32, #tpu.memory_space<hbm>>
      %dma_start3A_124 = tpu.memref_slice %arg4[%multiple_of3A_14] : memref<16384xf32, #tpu.memory_space<hbm>> -> memref<512xf32, #tpu.memory_space<hbm>>
      tpu.enqueue_dma source(%arg10 : memref<512xf32, #tpu.memory_space<vmem>>) target(%dma_start3A_124 : memref<512xf32, #tpu.memory_space<hbm>>) target_semaphore(%run_scoped3A : memref<!tpu.dma_semaphore, #tpu.memory_space<semaphore_mem>>)
      %dma_wait3A_125 = tpu.memref_slice %arg4[%multiple_of3A_14] : memref<16384xf32, #tpu.memory_space<hbm>> -> memref<512xf32, #tpu.memory_space<hbm>>
      %dma_wait3A_126 = tpu.memref_slice %arg4[%multiple_of3A_14] : memref<16384xf32, #tpu.memory_space<hbm>> -> memref<512xf32, #tpu.memory_space<hbm>>
      tpu.wait_dma2 semaphore(%run_scoped3A : memref<!tpu.dma_semaphore, #tpu.memory_space<semaphore_mem>>) src(%arg10 : memref<512xf32, #tpu.memory_space<vmem>>) dst(%dma_wait3A_126 : memref<512xf32, #tpu.memory_space<hbm>>)
      tpu.yield
    }) : () -> ()
    "tpu.trace_stop"() : () -> ()
    return
  }
}

</mosaic_0001>

<sc_bundles>
// kernel: kernel.3.cloned.1.call-start
scs
__scs_entry_jumppad:
0x0: {  	(pc) =	sbr.rel $0x88, $3  }
0x1: {  	(tag) =	ssettag $0x0;
	lr =	simm.s32 $0x1  }
0x2: {  	[smem:$0x3F9F] =	sst lr;
	_ =	strace $0xD0000000  }
0x3: {  	_ = 	snop  }
0x4: {  	_ = 	snop  }
0x5: {  	_ = 	snop  }
0x6: {  	_ = 	snop  }
0x7: {  	_ = 	snop  }
__scs_overlays_trampoline_lowered:
0x8: {  	[smem:$0x3FAE] =	sst s0  }
0x9: {  	[smem:$0x3FAF] =	sst s1  }
0xa: {  	[smem:$0x3FB0] =	sst s2  }
0xb: {  	[smem:$0x3FB1] =	sst s3  }
0xc: {  	[smem:$0x3FB2] =	sst s4  }
0xd: {  	[smem:$0x3FB3] =	sst s5  }
0xe: {  	[smem:$0x3FB4] =	sst s6  }
0xf: {  	[smem:$0x3FB5] =	sst s7  }
0x10: {  	[smem:$0x3FB6] =	sst s8  }
0x11: {  	[smem:$0x3FB7] =	sst s9;
	s0 =	simm.s32 @!p0 $0x0  }
0x12: {  	s1 =	sld [smem:$0x3F9D];
	s0 =	simm.s32 @p0 $0x1  }
0x13: {  	[smem:$0x3FB8] =	sst s0;
	s0 =	simm.s32 @!p1 $0x0  }
0x14: {  	s2 =	sld [smem:$0x3F9C];
	s0 =	simm.s32 @p1 $0x1  }
0x15: {  	[smem:$0x3FB9] =	sst s0;
	s0 =	simm.s32 @!p2 $0x0  }
0x16: {  	s3 =	sld [smem:$0x3FDB];
	s0 =	simm.s32 @p2 $0x1  }
0x17: {  	s4 =	simm.s32 $0x1BF5;
	[smem:$0x3FBB] =	sst s0  }
0x18: {  	s0 =	sld [smem:$0x3F9E];
	_ =	swait.ge [sflag:s4], $0x0  }
0x19: {  	s7 =	sld [smem:$0x3F9F]  }
0x1a: {  	s8 =	sadd.s32 $0xFFFFE003, lr  }
0x1b: {  	s9 =	sadd.s32 $0xFFFFFEF7, lr;
	s5 =	simm.s32 $0xFFFFFFFF;
	p2 =	slt.u32 s8, $0xFFFFF086  }
0x1c: {  	p1 =	slt.u32 s9, $0xF7A;
	s5 =	simm.s32 @!p2 $0x0  }
0x1d: {  	s5 =	simm.s32 @p1 $0x1;
	p0 =	seq.s32 s7, s2  }
0x1e: {  	s7 =	smul.u32 @!p0 $0xF7A, s2;
	p2 =	seq.s32 @!p0 s5, $0x0  }
0x1f: {  	s9 =	smul.u32 $0xF7A, s1;
	s8 =	simm.s32 @!p0 $0x1BF5;
	p2 =	por !p2, p0  }
0x20: {  	[sflag:s8] =	ssyncset.s32 @!p0 $0xFFFFF086;
	s6 =	sadd.s32 @!p0 s3, s7;
	s7 =	simm.s32 @!p0 $0x108  }
0x21: {  	s3 =	sadd.s32 s3, s9;
	s6 =	sadd.s32 @!p0 $0x88, s6;
	s7 =	simm.s32 @p2 $0x1082  }
0x22: {  	[simem:s7], [sflag:s8] =	dma.local @!p0 [hbm:s6], $0xF7A  }
0x23: {  	s9 =	sor.u32 $0xD0000000, s2;
	s6 =	simm.s32 $0x108;
	_ =	swait.ge @!p0 [sflag:s8], $0x0  }
0x24: {  	s3 =	sadd.s32 $0x88, s3;
	s6 =	simm.s32 @!p1 $0x1082;
	[sflag:s4] =	ssyncset.s32 $0xFFFFF086  }
0x25: {  	[simem:s6], [sflag:s4] =	dma.local [hbm:s3], $0xF7A  }
0x26: {  	[smem:$0x3F9F] =	sst s1;
	(tag) =	ssettag s2;
	_ =	strace s9  }
0x27: {  	s1 =	sld [smem:$0x3FAF]  }
0x28: {  	s2 =	sld [smem:$0x3FB0]  }
0x29: {  	s4 =	sld [smem:$0x3FB2]  }
0x2a: {  	p0 =	seq.s32 s5, $0x0;
	s5 =	sld [smem:$0x3FB3]  }
0x2b: {  	s6 =	sld [smem:$0x3FB4]  }
0x2c: {  	s7 =	sld [smem:$0x3FB5]  }
0x2d: {  	s3 =	simm.s32 $0x108;
	s8 =	sld [smem:$0x3FB6]  }
0x2e: {  	s3 =	simm.s32 @!p0 $0x1082;
	s9 =	sld [smem:$0x3FB7]  }
0x2f: {  	lr =	sadd.s32 s0, s3;
	s0 =	sld [smem:$0x3FAE]  }
0x30: {  	s3 =	sld [smem:$0x3FB1]  }
0x31: {  	[smem:$0x3FBA] =	sst s10  }
0x32: {  	s10 =	sld [smem:$0x3FB8];
	_ =	sdelay $0x3  }
0x33: {  	p0 =	seq.s32 s10, $0x1;
	s10 =	sld [smem:$0x3FBA];
	_ =	sdelay $0x3  }
0x34: {  	[smem:$0x3FBA] =	sst s10  }
0x35: {  	s10 =	sld [smem:$0x3FB9];
	_ =	sdelay $0x3  }
0x36: {  	p1 =	seq.s32 s10, $0x1;
	s10 =	sld [smem:$0x3FBA];
	_ =	sdelay $0x3  }
0x37: {  	[smem:$0x3FBA] =	sst s10  }
0x38: {  	s10 =	sld [smem:$0x3FBB]  }
0x39: {  	_ = 	snop;
	(pc) =	sbr.ind lr, $3  }
0x3a: {  	_ = 	snop  }
0x3b: {  	_ = 	snop  }
0x3c: {  	p2 =	seq.s32 s10, $0x1;
	s10 =	sld [smem:$0x3FBA]  }
0x3d: {  	_ =	shalt  }
0x3e: {  	_ =	shalt  }
0x3f: {  	_ =	shalt  }
0x40: {  	_ =	shalt  }
0x41: {  	_ =	shalt  }
0x42: {  	_ =	shalt  }
0x43: {  	_ =	shalt  }
0x44: {  	_ =	shalt  }
0x45: {  	_ =	shalt  }
0x46: {  	_ =	shalt  }
0x47: {  	_ =	shalt  }
0x48: {  	_ =	shalt  }
0x49: {  	_ =	shalt  }
0x4a: {  	_ =	shalt  }
0x4b: {  	_ =	shalt  }
0x4c: {  	_ =	shalt  }
0x4d: {  	_ =	shalt  }
0x4e: {  	_ =	shalt  }
0x4f: {  	_ =	shalt  }
0x50: {  	_ =	shalt  }
0x51: {  	_ =	shalt  }
0x52: {  	_ =	shalt  }
0x53: {  	_ =	shalt  }
0x54: {  	_ =	shalt  }
0x55: {  	_ =	shalt  }
0x56: {  	_ =	shalt  }
0x57: {  	_ =	shalt  }
0x58: {  	_ =	shalt  }
0x59: {  	_ =	shalt  }
0x5a: {  	_ =	shalt  }
0x5b: {  	_ =	shalt  }
0x5c: {  	_ =	shalt  }
0x5d: {  	_ =	shalt  }
0x5e: {  	_ =	shalt  }
0x5f: {  	_ =	shalt  }
0x60: {  	_ =	shalt  }
0x61: {  	_ =	shalt  }
0x62: {  	_ =	shalt  }
0x63: {  	_ =	shalt  }
0x64: {  	_ =	shalt  }
0x65: {  	_ =	shalt  }
0x66: {  	_ =	shalt  }
0x67: {  	_ =	shalt  }
0x68: {  	_ =	shalt  }
0x69: {  	_ =	shalt  }
0x6a: {  	_ =	shalt  }
0x6b: {  	_ =	shalt  }
0x6c: {  	_ =	shalt  }
0x6d: {  	_ =	shalt  }
0x6e: {  	_ =	shalt  }
0x6f: {  	_ =	shalt  }
0x70: {  	_ =	shalt  }
0x71: {  	_ =	shalt  }
0x72: {  	_ =	shalt  }
0x73: {  	_ =	shalt  }
0x74: {  	_ =	shalt  }
0x75: {  	_ =	shalt  }
0x76: {  	_ =	shalt  }
0x77: {  	_ =	shalt  }
0x78: {  	_ =	shalt  }
0x79: {  	_ =	shalt  }
0x7a: {  	_ =	shalt  }
0x7b: {  	_ =	shalt  }
0x7c: {  	_ =	shalt  }
0x7d: {  	_ =	shalt  }
0x7e: {  	_ =	shalt  }
0x7f: {  	_ =	shalt  }
0x80: {  	_ =	shalt  }
0x81: {  	_ =	shalt  }
0x82: {  	_ =	shalt  }
0x83: {  	_ =	shalt  }
0x84: {  	_ =	shalt  }
0x85: {  	_ =	shalt  }
0x86: {  	_ =	shalt  }
0x87: {  	_ =	shalt  }
.Lfunc_end0:
.L_simem_size_0:
called_computation_lowered:
.L_overlay_start_0:
0x88: {  	s2 =	sld [smem:$0x3FD9]  }
0x89: {  	s3 =	sld [smem:$0x3FFE];
	_ =	sdelay $0x1  }
0x8a: {  	s1 =	srdreg.scid  }
0x8b: {  	s0 =	sand.u32 $0x1, s1  }
0x8c: {  	s17 =	sshll.u32 s0, $0xA;
	s2 =	sadd.s32 s3, s2  }
0x8d: {  	s2 =	sadd.s32 s2, s17  }
0x8e: {  	[smem:$0x3FC6] =	sst s2  }
0x8f: {  	_ = 	snop  }
0x90: {  	s2 =	sld [smem:$0x3FC9]  }
0x91: {  	s18 =	sld [smem:$0x3FC8]  }
0x92: {  	s4 =	sld [smem:$0x3FD0];
	(tm) =	ssettm $0x1  }
0x93: {  	s5 =	sld [smem:$0x3FFB];
	_ =	sdelay $0x3  }
0x94: {  	_ =	strace s5  }
0x95: {  	s5 =	sld [smem:$0x3FFC];
	_ =	sdelay $0x3  }
0x96: {  	_ =	strace s5  }
0x97: {  	s5 =	sld [smem:$0x3FFD];
	_ =	sdelay $0x3  }
0x98: {  	_ =	strace s5  }
0x99: {  	_ =	strace $0x8FFFFFFF  }
0x9a: {  	s19 =	sld [smem:$0x3FDB];
	_ =	sdelay $0x1  }
0x9b: {  	s6 =	simm.s32 $_scs_section_size  }
0x9c: {  	s7 =	simm.s32 $_size__tile_overlayer_lowered;
	s8 =	simm.s32 $_tile_overlayer_lowered  }
0x9d: {  	s22 =	simm.s32 $0x1BFF;
	s21 =	sshll.u32 s8, $0x1;
	s5 =	sadd.s32 s6, s19  }
0x9e: {  	s9 =	simm.s32 $0x0;
	s20 =	sshll.u32 s7, $0x1;
	s7 =	sadd.s32 s21, s5  }
0x9f: {  	[timem:s9], [sflag:s22] =	dma.local [hbm:s7], s20  }
0xa0: {  	_ =	swait.ge [sflag:s22], s20  }
0xa1: {  	s6 =	ssub.s32 $0x0, s20;
	[sflag:s22] =	ssyncset.done $0x0  }
0xa2: {  	[sflag:s22] =	ssyncadd.s32 s6;
	_ =	sdelay $0x1  }
0xa3: {  	s23 =	simm.s32 $0x1B8B  }
0xa4: {  	_ =	swait.ge [sflag:s23], $0x1  }
0xa5: {  	[sflag:s23] =	ssyncset.done $0x0  }
0xa6: {  	s25 =	simm.s32 $0x1B8E;
	s24 =	sld [smem:$0x3FFE];
	[sflag:s23] =	ssyncadd.s32 $0xFFFFFFFF  }
0xa7: {  	s26 =	simm.s32 $execute0_lowered;
	[smem:$0x3FD2] =	sst s25  }
0xa8: {  	s7 =	sshll.u32 s26, $0x1;
	_ =	strace $0x80000046;
	[dreg:$0x1] =	wrdreg $0xFFFFFFFF  }
0xa9: {  	s28 =	simm.s32 $_size_execute0_lowered;
	s5 =	sadd.s32 s5, s7;
	[dreg:$0x0] =	wrdreg $0x0  }
0xaa: {  	s7 =	sshll.u32 s28, $0x1;
	[dreg:$0x2] =	wrdreg s5  }
0xab: {  	[dreg:$0x3] =	wrdreg s7  }
0xac: {  	[dreg:$0x4] =	wrdreg $0xC0  }
0xad: {  	_ =	task [dreg:s9], $0x5FFFF  }
0xae: {  	[dreg:$0x1] =	wrdreg $0xFFFFFFFF  }
0xaf: {  	[dreg:$0x0] =	wrdreg $0x60  }
0xb0: {  	[dreg:$0x2] =	wrdreg s2  }
0xb1: {  	[dreg:$0x3] =	wrdreg s18  }
0xb2: {  	[dreg:$0x4] =	wrdreg s4  }
0xb3: {  	[dreg:$0x5] =	wrdreg s24  }
0xb4: {  	[dreg:$0x6] =	wrdreg $0x9  }
0xb5: {  	_ =	task.clear_ibuf [dreg:s9], $0x7FFFF;
	_ =	strace $0x90000046  }
0xb6: {  	s29 =	simm.s32 $0x9;
	_ =	strace $0x8000004F  }
0xb7: {  	_ =	swait.ge [sflag:s29], $0x1  }
0xb8: {  	[sflag:s29] =	ssyncadd.s32 $0xFFFFFFFF  }
0xb9: {  	_ =	strace $0x9000004F  }
0xba: {  	_ =	sfence  }
0xbb: {  	s30 =	sld [smem:$0x0];
	_ =	sdelay $0x2  }
0xbc: {  	s31 =	sshll.u32 s1, $0xD;
	s1 =	sshrl.u32 s1, $0x2  }
0xbd: {  	s3 =	sand.u32 $0x4000, s31;
	s1 =	sadd.s32 s1, s30  }
0xbe: {  	s0 =	sor.u32 s3, s0;
	s1 =	sshll.u32 s1, $0x11  }
0xbf: {  	s0 =	sor.u32 s1, s0  }
0xc0: {  	s0 =	sadd.s32 $0x8F2B, s0  }
0xc1: {  	[sflag:s0] =	ssyncadd.remote.s32 $0x1  }
0xc2: {  	_ =	sfence.sel $0xFFFF  }
0xc3: {  	[dreg:$0x0] =	wrdreg $0xFFFFFFFF;
	(pc) =	sbr.abs _section_cstart, $3  }
0xc4: {  	[dreg:$0x1] =	wrdreg $0xFFFFFFFF  }
0xc5: {  	_ =	task.clear_ibuf [dreg:s9], $0x2FFFF;
	_ =	strace $0x9FFFFFFF  }
0xc6: {  	(tm) =	ssettm $0x7FFFFFFF  }
0xc7: {  	_ =	shalt  }
tec
execute0_lowered:
.L_overlay_start_1:
0x0: {  	(tag) =	ssettag $0x1  }
0x1: {  	s2 =	rddreg [dreg:$0x1]  }
0x2: {  	s0 =	rddreg [dreg:$0x2]  }
0x3: {  	s1 =	rddreg [dreg:$0x3];
	s4 =	srdreg.scid;
	s3 =	simm.s32 $0x0  }
0x4: {  	s7 =	stileid.u32;
	s12 =	simm.s32 $0x2;
	s13 =	simm.s32 $0x4000  }
0x5: {  	s15 =	simm.s32 $0x80;
	s19 =	simm.s32 $0x1;
	s21 =	simm.s32 $0x13880  }
0x6: {  	s23 =	simm.s32 $0x13900;
	s24 =	simm.s32 $0x13780;
	s25 =	simm.s32 $0x13980  }
0x7: {  	s26 =	simm.s32 $0x13800;
	s28 =	simm.s32 $0x13A00;
	s29 =	simm.s32 $0x0  }
0x8: {  	s4 =	sand.u32 $0x1, s4;
	[smem:$0x7FF] =	sst s3;
	s16 =	smul.u32 $0xF480, s7  }
0x9: {  	s7 =	sshll.u32 s7, $0x9;
	s5 =	smul.u32 $0x1E900, s4;
	s6 =	ssub.s32 $0x2, s4  }
0xa: {  	_ =	strace $0x80000047;
	s4 =	sshll.u32 s4, $0xD;
	s30 =	sshrl.u32 s6, $0x1  }
0xb: {  	s1 =	sadd.s32 s5, s1;
	s11 =	ssub.s32 s6, s30;
	s6 =	sor.u32 s7, s4  }
0xc: {  	s31 =	sshrl.u32 s16, $0x3;
	s5 =	sadd.s32 $0x800, s1;
	s7 =	sor.u32 $0x80, s6  }
0xd: {  	s4 =	sshrl.u32 s6, $0x3;
	s8 =	sor.u32 $0x100, s6;
	s9 =	sor.u32 $0x180, s6  }
0xe: {  	v0 =	vmov s16;
	s11 =	smax.u32 s11, $0x1;
	s10 =	sadd.s32 s0, s4;
	s14 =	sadd.s32 s31, s5  }
.LBB2_1:
0xf: {  	_ =	strace $0x80000048  }
0x10: {  	s0 =	rddreg [dreg:$0x0]  }
0x11: {  	[tilespmem:s3], [sflag:$0x2] =	stream.linear.gather [hbm4b:s0+s3], $0x4000, $0x200038;
	[tilespmem:$0x13A80] =	vst v63  }
0x12: {  	_ =	swait.ge [sflag:s12], $0x4000  }
0x13: {  	[sflag:s12] =	ssyncset.done $0x0  }
0x14: {  	[sflag:s12] =	ssyncadd.s32 $0xFFFFC000  }
0x15: {  	_ =	strace $0x90000048  }
0x16: {  	s31 =	simm.s32 $0x40;
	_ =	strace $0x80000049  }
0x17: {  	v9 =	vld [tilespmem:s31+$0xFFFFFFD0]  }
0x18: {  	v10 =	vld [tilespmem:s31+$0xFFFFFFF0]  }
0x19: {  	v11 =	vld [tilespmem:s31+$0xFFFFFFC0]  }
0x1a: {  	s4 =	simm.s32 $0x0;
	s1 =	simm.s32 $0x1;
	v15 =	vld [tilespmem:s31+$0xFFFFFFE0]  }
0x1b: {  	s16 =	simm.s32 $0x2;
	s17 =	simm.s32 $0x8;
	s18 =	simm.s32 $0xA;
	v7 =	vmov s4;
	v8 =	vmov s1  }
0x1c: {  	s20 =	simm.s32 $0x10;
	s22 =	simm.s32 $0x11;
	s4 =	simm.s32 $0x9;
	v6 =	vmov s16;
	v4 =	vmov s17;
	v5 =	vmov s18  }
0x1d: {  	v1 =	vmov s20;
	v2 =	vmov s22;
	v3 =	vmov s4;
	v16 =	vld [tilespmem:s31+$0x0]  }
0x1e: {  	v14 =	vsub.s32 v9, v0;
	v13 =	vsub.s32 v10, v0;
	v17 =	vsub.s32 v11, v0  }
0x1f: {  	v21 =	vand.u32 $0x7F, v9;
	v19 =	vand.u32 $0x7F, v11;
	v20 =	vsub.s32 v15, v0  }
0x20: {  	s30 =	simm.s32 $0x17;
	v18 =	vand.u32 $0xFFFFFF80, v14;
	v12 =	vand.u32 $0xFFFFFF80, v13;
	vm2 =	vlt.u32 v14, $0xF480;
	v14 =	vld [tilespmem:s31+$0x10]  }
0x21: {  	s1 =	simm.s32 $0x7;
	s16 =	simm.s32 $0x1F;
	s17 =	simm.s32 $0x140;
	v9 =	vld [tilespmem:s31+$0x30];
	vm1 =	vlt.u32 v17, $0xF480;
	v17 =	vand.u32 $0xFFFFFF80, v17;
	vm0 =	vlt.u32 v20, $0xF480  }
0x22: {  	s0 =	simm.s32 $0xF;
	s4 =	simm.s32 $0xC0;
	v11 =	vld [tilespmem:s31+$0x20];
	s31 =	simm.s32 $0x140;
	v17 =	vor.u32 v19, v17;
	v19 =	vsub.s32 v16, v0;
	v18 =	vor.u32 v21, v18  }
.LBB2_2:
0x23: {  	p0 =	sne.s32 s16, $0x3FF  }
0x24: {  	s17 =	sadd.s32 $0x80, s17;
	v20 =	vand.u32 $0xFFFFFF80, v20;
	v15 =	vand.u32 $0x7F, v15;
	v16 =	vand.u32 $0x7F, v16;
	s18 =	smov.u32 s16;
	s16 =	sadd.s32 $0x8, s16  }
0x25: {  	vm4 =	vlt.u32 v19, $0xF480;
	v19 =	vand.u32 $0xFFFFFF80, v19;
	v21 =	vsub.s32 v14, v0  }
0x26: {  	v16 =	vor.u32 v16, v19;
	vm3 =	vlt.u32 v21, $0xF480;
	v19 =	vand.u32 $0xFFFFFF80, v21  }
0x27: {  	vm5 =	vlt.u32 v13, $0xF480;
	v10 =	vand.u32 $0x7F, v10;
	v13 =	vor.u32 v15, v20;
	[tilespmem:v17+s13+$0x0] =	vst.idx.msk vm1, v7;
	v7 =	vmovc v4  }
0x28: {  	v15 =	vsub.s32 v9, v0;
	v10 =	vor.u32 v10, v12;
	v12 =	vand.u32 $0x7F, v11;
	[tilespmem:v18+s13+$0x0] =	vst.idx.msk vm2, v8  }
0x29: {  	v11 =	vsub.s32 v11, v0;
	v14 =	vand.u32 $0x7F, v14;
	v17 =	vand.u32 $0xFFFFFF80, v15;
	v4 =	vmovc v1;
	v8 =	vmovc v3  }
0x2a: {  	vm1 =	vlt.u32 v11, $0xF480;
	v1 =	vor.u32 v14, v19;
	v11 =	vand.u32 $0xFFFFFF80, v11;
	v3 =	vmovc v2  }
0x2b: {  	s20 =	sadd.s32 $0xFFFFFFFC, s1;
	v9 =	vand.u32 $0x7F, v9;
	vm2 =	vlt.u32 v15, $0xF480;
	v2 =	vor.u32 v12, v11  }
0x2c: {  	v11 =	vmov s20;
	s20 =	sadd.s32 $0xFFFFFFFD, s1;
	v9 =	vor.u32 v9, v17;
	[tilespmem:v13+s13+$0x0] =	vst.idx.msk vm0, v6;
	v6 =	vmov v5  }
0x2d: {  	v5 =	vmov s20;
	s20 =	sadd.s32 $0xFFFFFFFE, s1;
	[tilespmem:v10+s13+$0x0] =	vst.idx.msk vm5, v11  }
0x2e: {  	[tilespmem:v16+s13+$0x0] =	vst.idx.msk vm4, v5;
	v5 =	vmov s20;
	s20 =	sadd.s32 $0xFFFFFFFF, s1  }
0x2f: {  	s22 =	sadd.s32 $0xFFFFFFFB, s30;
	[tilespmem:v1+s13+$0x0] =	vst.idx.msk vm3, v5;
	v1 =	vmov s20  }
0x30: {  	[tilespmem:v2+s13+$0x0] =	vst.idx.msk vm1, v1;
	v1 =	vmov s1;
	s1 =	smov.u32 s0;
	s0 =	smov.u32 s30;
	s30 =	smov.u32 s18  }
0x31: {  	v5 =	vmov s22;
	[tilespmem:v9+s13+$0x0] =	vst.idx.msk vm2, v1  }
0x32: {  	v12 =	vld [tilespmem:s4+$0xFFFFFFD0]  }
0x33: {  	v10 =	vld [tilespmem:s4+$0xFFFFFFF0]  }
0x34: {  	s18 =	sadd.s32 $0xFFFFFFF9, s30;
	v17 =	vld [tilespmem:s4+$0xFFFFFFC0]  }
0x35: {  	v1 =	vmov s18;
	v9 =	vld [tilespmem:s4+$0x30]  }
0x36: {  	s18 =	sadd.s32 $0xFFFFFFFA, s30;
	v15 =	vld [tilespmem:s4+$0xFFFFFFE0]  }
0x37: {  	v16 =	vld [tilespmem:s4+$0x0];
	v18 =	vsub.s32 v12, v0  }
.Ltmp0:
0x38: {  	v2 =	vmov s18;
	v11 =	vld [tilespmem:s4+$0x20];
	v13 =	vsub.s32 v10, v0;
	v21 =	vand.u32 $0xFFFFFF80, v18;
	(pc) =	sbr.rel @p0 .LBB2_2-.Ltmp0, $4  }
0x39: {  	v22 =	vand.u32 $0x7F, v12;
	v14 =	vld [tilespmem:s4+$0x10];
	v19 =	vsub.s32 v17, v0;
	v12 =	vand.u32 $0xFFFFFF80, v13;
	s4 =	smov.u32 s31;
	s31 =	smov.u32 s17  }
0x3a: {  	v17 =	vand.u32 $0x7F, v17;
	vm1 =	vlt.u32 v19, $0xF480;
	v19 =	vand.u32 $0xFFFFFF80, v19  }
0x3b: {  	vm2 =	vlt.u32 v18, $0xF480;
	v20 =	vsub.s32 v15, v0;
	v17 =	vor.u32 v17, v19  }
0x3c: {  	v18 =	vor.u32 v22, v21;
	v19 =	vsub.s32 v16, v0;
	vm0 =	vlt.u32 v20, $0xF480  }
0x3d: {  	v20 =	vand.u32 $0xFFFFFF80, v20;
	v15 =	vand.u32 $0x7F, v15;
	v16 =	vand.u32 $0x7F, v16  }
0x3e: {  	vm3 =	vlt.u32 v19, $0xF480;
	v23 =	vand.u32 $0xFFFFFF80, v19;
	vm5 =	vlt.u32 v13, $0xF480  }
0x3f: {  	v10 =	vand.u32 $0x7F, v10;
	v26 =	vsub.s32 v9, v0;
	v27 =	vand.u32 $0x7F, v11  }
0x40: {  	v28 =	vsub.s32 v11, v0;
	v33 =	vand.u32 $0x7F, v9;
	v25 =	vor.u32 v15, v20  }
0x41: {  	v21 =	vsub.s32 v14, v0;
	v16 =	vor.u32 v16, v23;
	v10 =	vor.u32 v10, v12  }
0x42: {  	v29 =	vand.u32 $0x7F, v14;
	vm4 =	vlt.u32 v21, $0xF480;
	v24 =	vand.u32 $0xFFFFFF80, v21  }
0x43: {  	[tilespmem:v17+s13+$0x0] =	vst.idx.msk vm1, v7;
	vm11 =	vlt.u32 v28, $0xF480;
	v11 =	vand.u32 $0xFFFFFF80, v28;
	v31 =	vor.u32 v29, v24  }
0x44: {  	s16 =	sadd.s32 $0xFFFFFFFC, s1;
	v30 =	vand.u32 $0xFFFFFF80, v26;
	[tilespmem:v18+s13+$0x0] =	vst.idx.msk vm2, v8;
	vm12 =	vlt.u32 v26, $0xF480;
	v32 =	vor.u32 v27, v11  }
0x45: {  	s18 =	sadd.s32 $0xFFFFFFFD, s1;
	v34 =	vmov s16;
	v9 =	vor.u32 v33, v30;
	[tilespmem:v25+s13+$0x0] =	vst.idx.msk vm0, v6  }
0x46: {  	s20 =	sadd.s32 $0xFFFFFFFE, s1;
	v35 =	vmov s18;
	[tilespmem:v10+s13+$0x0] =	vst.idx.msk vm5, v34  }
0x47: {  	s22 =	sadd.s32 $0xFFFFFFFF, s1;
	v36 =	vmov s20;
	[tilespmem:v16+s13+$0x0] =	vst.idx.msk vm3, v35  }
0x48: {  	v37 =	vmov s22;
	[tilespmem:v31+s13+$0x0] =	vst.idx.msk vm4, v36  }
0x49: {  	v38 =	vmov s1;
	[tilespmem:v32+s13+$0x0] =	vst.idx.msk vm11, v37  }
0x4a: {  	[tilespmem:v9+s13+$0x0] =	vst.idx.msk vm12, v38  }
0x4b: {  	v6 =	vld [tilespmem:s4+$0xFFFFFFD0]  }
0x4c: {  	v7 =	vld [tilespmem:s4+$0xFFFFFFF0]  }
0x4d: {  	v8 =	vld [tilespmem:s4+$0xFFFFFFC0]  }
0x4e: {  	v9 =	vld [tilespmem:s4+$0xFFFFFFE0]  }
0x4f: {  	v10 =	vld [tilespmem:s4+$0x0]  }
0x50: {  	v42 =	vld [tilespmem:s4+$0x10]  }
0x51: {  	v17 =	vld [tilespmem:s4+$0x30]  }
0x52: {  	v46 =	vld [tilespmem:s4+$0x20]  }
0x53: {  	v39 =	vsub.s32 v6, v0;
	v40 =	vsub.s32 v7, v0;
	v43 =	vsub.s32 v8, v0  }
0x54: {  	v6 =	vand.u32 $0x7F, v6;
	v8 =	vand.u32 $0x7F, v8;
	v45 =	vsub.s32 v9, v0  }
0x55: {  	v47 =	vsub.s32 v10, v0;
	v9 =	vand.u32 $0x7F, v9;
	v10 =	vand.u32 $0x7F, v10  }
0x56: {  	v49 =	vsub.s32 v42, v0;
	v7 =	vand.u32 $0x7F, v7;
	v51 =	vsub.s32 v17, v0  }
0x57: {  	v52 =	vand.u32 $0x7F, v46;
	v11 =	vsub.s32 v46, v0;
	v14 =	vand.u32 $0x7F, v42  }
0x58: {  	v56 =	vand.u32 $0x7F, v17;
	vm13 =	vlt.u32 v43, $0xF480;
	v15 =	vand.u32 $0xFFFFFF80, v43  }
0x59: {  	v41 =	vand.u32 $0xFFFFFF80, v39;
	vm14 =	vlt.u32 v39, $0xF480;
	v8 =	vor.u32 v8, v15  }
0x5a: {  	vm15 =	vlt.u32 v45, $0xF480;
	v48 =	vand.u32 $0xFFFFFF80, v45;
	v6 =	vor.u32 v6, v41  }
0x5b: {  	v44 =	vand.u32 $0xFFFFFF80, v40;
	vm10 =	vlt.u32 v40, $0xF480;
	v9 =	vor.u32 v9, v48  }
0x5c: {  	vm8 =	vlt.u32 v47, $0xF480;
	v15 =	vand.u32 $0xFFFFFF80, v47;
	v7 =	vor.u32 v7, v44  }
0x5d: {  	vm9 =	vlt.u32 v49, $0xF480;
	v50 =	vand.u32 $0xFFFFFF80, v49;
	v10 =	vor.u32 v10, v15  }
0x5e: {  	vm11 =	vlt.u32 v11, $0xF480;
	v55 =	vand.u32 $0xFFFFFF80, v11;
	v54 =	vor.u32 v14, v50;
	[tilespmem:v8+s13+$0x0] =	vst.idx.msk vm13, v4  }
0x5f: {  	s16 =	sadd.s32 $0xFFFFFFFC, s0;
	v53 =	vand.u32 $0xFFFFFF80, v51;
	vm12 =	vlt.u32 v51, $0xF480;
	[tilespmem:v6+s13+$0x0] =	vst.idx.msk vm14, v3;
	v3 =	vor.u32 v52, v55  }
0x60: {  	s17 =	sadd.s32 $0xFFFFFFFD, s0;
	v57 =	vmov s16;
	v6 =	vor.u32 v56, v53;
	[tilespmem:v9+s13+$0x0] =	vst.idx.msk vm15, v5  }
0x61: {  	v58 =	vmov s17;
	s18 =	sadd.s32 $0xFFFFFFFE, s0;
	[tilespmem:v7+s13+$0x0] =	vst.idx.msk vm10, v57  }
0x62: {  	s20 =	sadd.s32 $0xFFFFFFFF, s0;
	v59 =	vmov s18;
	[tilespmem:v10+s13+$0x0] =	vst.idx.msk vm8, v58  }
0x63: {  	v60 =	vmov s20;
	[tilespmem:v54+s13+$0x0] =	vst.idx.msk vm9, v59  }
0x64: {  	[tilespmem:v3+s13+$0x0] =	vst.idx.msk vm11, v60;
	v3 =	vmov s0  }
0x65: {  	[tilespmem:v6+s13+$0x0] =	vst.idx.msk vm12, v3  }
0x66: {  	v3 =	vld [tilespmem:s31+$0xFFFFFFD0]  }
0x67: {  	v4 =	vld [tilespmem:s31+$0xFFFFFFF0]  }
0x68: {  	v5 =	vld [tilespmem:s31+$0xFFFFFFC0]  }
0x69: {  	v6 =	vld [tilespmem:s31+$0xFFFFFFE0]  }
0x6a: {  	v7 =	vld [tilespmem:s31+$0x0]  }
0x6b: {  	v21 =	vld [tilespmem:s31+$0x10]  }
0x6c: {  	s22 =	sadd.s32 $0xFFFFFFFB, s30;
	v24 =	vld [tilespmem:s31+$0x30]  }
0x6d: {  	v62 =	vmov s22;
	v26 =	vld [tilespmem:s31+$0x20]  }
0x6e: {  	v61 =	vsub.s32 v3, v0;
	v63 =	vsub.s32 v4, v0;
	v22 =	vsub.s32 v5, v0  }
0x6f: {  	v3 =	vand.u32 $0x7F, v3;
	v5 =	vand.u32 $0x7F, v5;
	v25 =	vsub.s32 v6, v0  }
0x70: {  	v27 =	vsub.s32 v7, v0;
	v6 =	vand.u32 $0x7F, v6;
	v7 =	vand.u32 $0x7F, v7  }
0x71: {  	v29 =	vsub.s32 v21, v0;
	v4 =	vand.u32 $0x7F, v4;
	v31 =	vsub.s32 v24, v0  }
0x72: {  	v32 =	vand.u32 $0x7F, v26;
	v8 =	vsub.s32 v26, v0;
	v12 =	vand.u32 $0x7F, v21  }
0x73: {  	v20 =	vand.u32 $0xFFFFFF80, v61;
	vm13 =	vlt.u32 v22, $0xF480;
	v13 =	vand.u32 $0xFFFFFF80, v22  }
0x74: {  	v23 =	vand.u32 $0xFFFFFF80, v63;
	vm14 =	vlt.u32 v61, $0xF480;
	v5 =	vor.u32 v5, v13  }
0x75: {  	vm15 =	vlt.u32 v25, $0xF480;
	v28 =	vand.u32 $0xFFFFFF80, v25;
	v3 =	vor.u32 v3, v20  }
0x76: {  	vm8 =	vlt.u32 v27, $0xF480;
	vm10 =	vlt.u32 v63, $0xF480;
	v6 =	vor.u32 v6, v28  }
0x77: {  	vm9 =	vlt.u32 v29, $0xF480;
	v13 =	vand.u32 $0xFFFFFF80, v27;
	v4 =	vor.u32 v4, v23  }
0x78: {  	v30 =	vand.u32 $0xFFFFFF80, v29;
	v33 =	vand.u32 $0xFFFFFF80, v31;
	v7 =	vor.u32 v7, v13  }
0x79: {  	vm11 =	vlt.u32 v8, $0xF480;
	v34 =	vand.u32 $0xFFFFFF80, v8;
	[tilespmem:v5+s13+$0x0] =	vst.idx.msk vm13, v1;
	v1 =	vor.u32 v12, v30  }
0x7a: {  	s31 =	sadd.s32 $0xFFFFFFFC, s30;
	vm12 =	vlt.u32 v31, $0xF480;
	[tilespmem:v3+s13+$0x0] =	vst.idx.msk vm14, v2;
	v2 =	vor.u32 v32, v34;
	v3 =	vand.u32 $0x7F, v24  }
0x7b: {  	s1 =	sadd.s32 $0xFFFFFFFD, s30;
	v35 =	vmov s31;
	[tilespmem:v6+s13+$0x0] =	vst.idx.msk vm15, v62;
	v3 =	vor.u32 v3, v33  }
0x7c: {  	v36 =	vmov s1;
	s4 =	sadd.s32 $0xFFFFFFFE, s30;
	[tilespmem:v4+s13+$0x0] =	vst.idx.msk vm10, v35  }
0x7d: {  	s16 =	sadd.s32 $0xFFFFFFFF, s30;
	v37 =	vmov s4;
	[tilespmem:v7+s13+$0x0] =	vst.idx.msk vm8, v36  }
0x7e: {  	[tilespmem:v1+s13+$0x0] =	vst.idx.msk vm9, v37;
	v1 =	vmov s16  }
0x7f: {  	[tilespmem:v2+s13+$0x0] =	vst.idx.msk vm11, v1;
	v1 =	vmov s30  }
0x80: {  	[tilespmem:v3+s13+$0x0] =	vst.idx.msk vm12, v1  }
0x81: {  	_ =	strace $0x90000049  }
0x82: {  	s17 =	simm.s32 $0x0;
	_ =	strace $0x8000004A  }
0x83: {  	[hbm4b:s14+s17] =	stream.linear.scatter [tilespmem:s13], [sflag:$0x2], $0xF480, $0x200038;
	[tilespmem:$0x13A80] =	vst v63  }
0x84: {  	_ =	swait.ge [sflag:s12], $0xF480  }
0x85: {  	[sflag:s12] =	ssyncset.done $0x0  }
0x86: {  	[sflag:s12] =	ssyncadd.s32 $0xFFFF0B80  }
0x87: {  	[bflag:$0x0] =	sbarrier.arrive $0xFFFF  }
0x88: {  	_ =	strace $0x9000004A  }
0x89: {  	s18 =	simm.s32 $0x13480;
	_ =	strace $0x8000004B  }
0x8a: {  	[tilespmem:s18], [sflag:$0x1] =	stream.indirect.gather [hbm4b:s5+s15], $0x1, s6, s15, $0x2000b8;
	[tilespmem:$0x13A80] =	vst v63  }
0x8b: {  	s20 =	simm.s32 $0x13500  }
0x8c: {  	[tilespmem:s20], [sflag:$0x1] =	stream.indirect.gather [hbm4b:s5+s15], $0x1, s7, s15, $0x2000b8;
	[tilespmem:$0x13A80] =	vst v63  }
0x8d: {  	s22 =	simm.s32 $0x13580  }
0x8e: {  	[tilespmem:s22], [sflag:$0x1] =	stream.indirect.gather [hbm4b:s5+s15], $0x1, s8, s15, $0x2000b8;
	[tilespmem:$0x13A80] =	vst v63  }
0x8f: {  	s30 =	simm.s32 $0x13600  }
0x90: {  	[tilespmem:s30], [sflag:$0x1] =	stream.indirect.gather [hbm4b:s5+s15], $0x1, s9, s15, $0x2000b8;
	[tilespmem:$0x13A80] =	vst v63  }
0x91: {  	_ =	swait.ge [sflag:s19], $0x80  }
0x92: {  	[sflag:s19] =	ssyncset.done $0x0  }
0x93: {  	[sflag:s19] =	ssyncadd.s32 $0xFFFFFF80  }
0x94: {  	_ =	swait.ge [sflag:s19], $0x80  }
0x95: {  	[sflag:s19] =	ssyncset.done $0x0  }
0x96: {  	[sflag:s19] =	ssyncadd.s32 $0xFFFFFF80  }
0x97: {  	_ =	swait.ge [sflag:s19], $0x80  }
0x98: {  	[sflag:s19] =	ssyncset.done $0x0  }
0x99: {  	[sflag:s19] =	ssyncadd.s32 $0xFFFFFF80  }
0x9a: {  	_ =	swait.ge [sflag:s19], $0x80  }
0x9b: {  	[sflag:s19] =	ssyncset.done $0x0  }
0x9c: {  	[sflag:s19] =	ssyncadd.s32 $0xFFFFFF80  }
0x9d: {  	_ =	strace $0x9000004B  }
0x9e: {  	_ =	strace $0x8000004C  }
0x9f: {  	v1 =	vld [tilespmem:s18+$0x0];
	_ =	sdelay $0x4  }
0xa0: {  	v1 =	vshll.u32 v1, $0x4  }
0xa1: {  	v2 =	vor.u32 $0x1, v1  }
0xa2: {  	s31 =	sand.u32 $0x180, s17;
	v3 =	vor.u32 $0x2, v1  }
0xa3: {  	s0 =	sand.u32 $0x70, s17;
	s1 =	sadd.s32 s31, s6;
	v38 =	vor.u32 $0x3, v1  }
0xa4: {  	s0 =	sadd.s32 s0, s1;
	v39 =	vor.u32 $0x4, v1  }
0xa5: {  	v40 =	vld [tilespmem:s0+$0x0];
	v41 =	vor.u32 $0x5, v1  }
0xa6: {  	v43 =	vor.u32 $0x6, v1;
	v42 =	vld.idx.msk [tilespmem:v2+s3+$0x0], $0xffff  }
0xa7: {  	v45 =	vor.u32 $0x7, v1;
	v44 =	vld.idx.msk [tilespmem:v3+s3+$0x0], $0xffff  }
0xa8: {  	v47 =	vor.u32 $0x8, v1;
	v46 =	vld.idx.msk [tilespmem:v38+s3+$0x0], $0xffff  }
0xa9: {  	v49 =	vor.u32 $0x9, v1;
	v48 =	vld.idx.msk [tilespmem:v39+s3+$0x0], $0xffff  }
0xaa: {  	v51 =	vor.u32 $0xA, v1;
	v50 =	vld.idx.msk [tilespmem:v41+s3+$0x0], $0xffff  }
0xab: {  	v53 =	vor.u32 $0xB, v1;
	v52 =	vld.idx.msk [tilespmem:v43+s3+$0x0], $0xffff;
	vm13 =	veq.s32 v42, v40  }
0xac: {  	v55 =	vor.u32 $0xC, v1;
	v54 =	vld.idx.msk [tilespmem:v45+s3+$0x0], $0xffff;
	vm14 =	veq.s32 v44, v40;
	v2 =	vsel vm13, v2, v1  }
0xad: {  	v57 =	vor.u32 $0xD, v1;
	v56 =	vld.idx.msk [tilespmem:v47+s3+$0x0], $0xffff;
	vm15 =	veq.s32 v46, v40;
	v2 =	vsel vm14, v3, v2  }
0xae: {  	v58 =	vor.u32 $0xE, v1;
	vm4 =	veq.s32 v48, v40;
	v3 =	vld.idx.msk [tilespmem:v49+s3+$0x0], $0xffff;
	v2 =	vsel vm15, v38, v2  }
0xaf: {  	v59 =	vld.idx.msk [tilespmem:v51+s3+$0x0], $0xffff;
	vm5 =	veq.s32 v50, v40;
	v1 =	vor.u32 $0xF, v1;
	v2 =	vsel vm4, v39, v2  }
0xb0: {  	v60 =	vld.idx.msk [tilespmem:v53+s3+$0x0], $0xffff;
	vm6 =	veq.s32 v52, v40;
	v2 =	vsel vm5, v41, v2  }
0xb1: {  	v61 =	vld.idx.msk [tilespmem:v55+s3+$0x0], $0xffff;
	vm7 =	veq.s32 v54, v40;
	v2 =	vsel vm6, v43, v2  }
0xb2: {  	v62 =	vld.idx.msk [tilespmem:v57+s3+$0x0], $0xffff;
	vm8 =	veq.s32 v56, v40;
	v2 =	vsel vm7, v45, v2  }
0xb3: {  	v63 =	vld.idx.msk [tilespmem:v58+s3+$0x0], $0xffff;
	vm9 =	veq.s32 v3, v40;
	v2 =	vsel vm8, v47, v2  }
0xb4: {  	vm10 =	veq.s32 v59, v40;
	v3 =	vld.idx.msk [tilespmem:v1+s3+$0x0], $0xffff;
	v2 =	vsel vm9, v49, v2  }
0xb5: {  	vm11 =	veq.s32 v60, v40;
	v2 =	vsel vm10, v51, v2  }
0xb6: {  	vm12 =	veq.s32 v61, v40;
	v2 =	vsel vm11, v53, v2  }
0xb7: {  	vm13 =	veq.s32 v62, v40;
	v2 =	vsel vm12, v55, v2  }
0xb8: {  	vm14 =	veq.s32 v63, v40;
	v2 =	vsel vm13, v57, v2  }
0xb9: {  	vm15 =	veq.s32 v3, v40;
	v2 =	vsel vm14, v58, v2  }
0xba: {  	s0 =	simm.s32 $0x13680;
	v1 =	vsel vm15, v1, v2  }
0xbb: {  	s4 =	simm.s32 $0x13490;
	[tilespmem:s0+$0x0] =	vst v1  }
0xbc: {  	s1 =	simm.s32 $0x10;
	s16 =	simm.s32 $0x20;
	v1 =	vld [tilespmem:s4+$0x0]  }
.LBB2_4:
0xbd: {  	p0 =	sne.s32 s16, $0x1F0;
	_ =	sdelay $0x3  }
0xbe: {  	v1 =	vshll.u32 v1, $0x4  }
0xbf: {  	v2 =	vor.u32 $0x1, v1  }
0xc0: {  	s17 =	sand.u32 $0x180, s1;
	v3 =	vor.u32 $0x2, v1  }
0xc1: {  	s18 =	sand.u32 $0x70, s1;
	s1 =	smov.u32 s16;
	s17 =	sadd.s32 s17, s6;
	v4 =	vor.u32 $0x3, v1  }
0xc2: {  	s17 =	sadd.s32 s18, s17;
	v5 =	vor.u32 $0x4, v1  }
0xc3: {  	v7 =	vor.u32 $0x5, v1;
	v6 =	vld [tilespmem:s17+$0x0]  }
0xc4: {  	v9 =	vor.u32 $0x6, v1;
	v8 =	vld.idx.msk [tilespmem:v2+s3+$0x0], $0xffff  }
0xc5: {  	v11 =	vor.u32 $0x7, v1;
	v10 =	vld.idx.msk [tilespmem:v3+s3+$0x0], $0xffff  }
0xc6: {  	v13 =	vor.u32 $0x8, v1;
	v12 =	vld.idx.msk [tilespmem:v4+s3+$0x0], $0xffff  }
0xc7: {  	v15 =	vor.u32 $0x9, v1;
	v14 =	vld.idx.msk [tilespmem:v5+s3+$0x0], $0xffff  }
0xc8: {  	v17 =	vor.u32 $0xA, v1;
	v16 =	vld.idx.msk [tilespmem:v7+s3+$0x0], $0xffff  }
0xc9: {  	v19 =	vor.u32 $0xB, v1;
	v18 =	vld.idx.msk [tilespmem:v9+s3+$0x0], $0xffff  }
0xca: {  	v20 =	vor.u32 $0xC, v1;
	vm0 =	veq.s32 v8, v6;
	v8 =	vld.idx.msk [tilespmem:v11+s3+$0x0], $0xffff  }
0xcb: {  	v21 =	vor.u32 $0xD, v1;
	v2 =	vsel vm0, v2, v1;
	vm0 =	veq.s32 v10, v6;
	v10 =	vld.idx.msk [tilespmem:v13+s3+$0x0], $0xffff  }
0xcc: {  	v2 =	vsel vm0, v3, v2;
	vm0 =	veq.s32 v12, v6;
	v12 =	vor.u32 $0xE, v1;
	v3 =	vld.idx.msk [tilespmem:v15+s3+$0x0], $0xffff  }
0xcd: {  	v1 =	vor.u32 $0xF, v1;
	v2 =	vsel vm0, v4, v2;
	vm0 =	veq.s32 v14, v6;
	v4 =	vld.idx.msk [tilespmem:v17+s3+$0x0], $0xffff  }
0xce: {  	v2 =	vsel vm0, v5, v2;
	vm0 =	veq.s32 v16, v6;
	v5 =	vld.idx.msk [tilespmem:v19+s3+$0x0], $0xffff  }
0xcf: {  	v2 =	vsel vm0, v7, v2;
	vm0 =	veq.s32 v18, v6;
	v7 =	vld.idx.msk [tilespmem:v20+s3+$0x0], $0xffff  }
0xd0: {  	v2 =	vsel vm0, v9, v2;
	vm0 =	veq.s32 v8, v6;
	v8 =	vld.idx.msk [tilespmem:v21+s3+$0x0], $0xffff  }
0xd1: {  	v2 =	vsel vm0, v11, v2;
	vm0 =	veq.s32 v10, v6;
	v9 =	vld.idx.msk [tilespmem:v12+s3+$0x0], $0xffff  }
0xd2: {  	v2 =	vsel vm0, v13, v2;
	vm0 =	veq.s32 v3, v6;
	v3 =	vld.idx.msk [tilespmem:v1+s3+$0x0], $0xffff  }
0xd3: {  	v2 =	vsel vm0, v15, v2;
	vm0 =	veq.s32 v4, v6  }
0xd4: {  	v2 =	vsel vm0, v17, v2;
	vm0 =	veq.s32 v5, v6  }
0xd5: {  	v2 =	vsel vm0, v19, v2;
	vm0 =	veq.s32 v7, v6  }
0xd6: {  	v2 =	vsel vm0, v20, v2;
	vm0 =	veq.s32 v8, v6  }
.Ltmp1:
0xd7: {  	v2 =	vsel vm0, v21, v2;
	vm0 =	veq.s32 v9, v6;
	(pc) =	sbr.rel @p0 .LBB2_4-.Ltmp1, $4  }
0xd8: {  	v2 =	vsel vm0, v12, v2;
	vm0 =	veq.s32 v3, v6  }
0xd9: {  	s0 =	sadd.s32 $0x10, s0;
	v1 =	vsel vm0, v1, v2  }
0xda: {  	s4 =	sadd.s32 $0x10, s4;
	[tilespmem:s0+$0x0] =	vst v1  }
0xdb: {  	s16 =	sadd.s32 $0x10, s16;
	v1 =	vld [tilespmem:s4+$0x0]  }
0xdc: {  	_ =	sdelay $0x3  }
0xdd: {  	v1 =	vshll.u32 v1, $0x4  }
0xde: {  	v2 =	vor.u32 $0x1, v1  }
0xdf: {  	s4 =	sand.u32 $0x180, s1;
	v3 =	vor.u32 $0x2, v1  }
0xe0: {  	s22 =	sand.u32 $0x70, s1;
	s4 =	sadd.s32 s4, s6;
	v4 =	vor.u32 $0x3, v1  }
0xe1: {  	s1 =	sadd.s32 s22, s4;
	v5 =	vor.u32 $0x4, v1  }
0xe2: {  	v6 =	vld [tilespmem:s1+$0x0];
	v7 =	vor.u32 $0x5, v1  }
0xe3: {  	v9 =	vor.u32 $0x6, v1;
	v8 =	vld.idx.msk [tilespmem:v2+s3+$0x0], $0xffff  }
0xe4: {  	v11 =	vor.u32 $0x7, v1;
	v10 =	vld.idx.msk [tilespmem:v3+s3+$0x0], $0xffff  }
0xe5: {  	v13 =	vor.u32 $0x8, v1;
	v12 =	vld.idx.msk [tilespmem:v4+s3+$0x0], $0xffff  }
0xe6: {  	v15 =	vor.u32 $0x9, v1;
	v14 =	vld.idx.msk [tilespmem:v5+s3+$0x0], $0xffff  }
0xe7: {  	v17 =	vor.u32 $0xA, v1;
	v16 =	vld.idx.msk [tilespmem:v7+s3+$0x0], $0xffff  }
0xe8: {  	v19 =	vor.u32 $0xB, v1;
	v18 =	vld.idx.msk [tilespmem:v9+s3+$0x0], $0xffff;
	vm0 =	veq.s32 v8, v6  }
0xe9: {  	v20 =	vor.u32 $0xC, v1;
	v56 =	vld.idx.msk [tilespmem:v11+s3+$0x0], $0xffff;
	vm14 =	veq.s32 v10, v6;
	v2 =	vsel vm0, v2, v1  }
0xea: {  	v21 =	vor.u32 $0xD, v1;
	v57 =	vld.idx.msk [tilespmem:v13+s3+$0x0], $0xffff;
	vm15 =	veq.s32 v12, v6;
	v2 =	vsel vm14, v3, v2  }
0xeb: {  	v58 =	vor.u32 $0xE, v1;
	vm4 =	veq.s32 v14, v6;
	v3 =	vld.idx.msk [tilespmem:v15+s3+$0x0], $0xffff;
	v2 =	vsel vm15, v4, v2  }
0xec: {  	v59 =	vld.idx.msk [tilespmem:v17+s3+$0x0], $0xffff;
	vm5 =	veq.s32 v16, v6;
	v1 =	vor.u32 $0xF, v1;
	v2 =	vsel vm4, v5, v2  }
0xed: {  	v60 =	vld.idx.msk [tilespmem:v19+s3+$0x0], $0xffff;
	vm6 =	veq.s32 v18, v6;
	v2 =	vsel vm5, v7, v2  }
0xee: {  	v61 =	vld.idx.msk [tilespmem:v20+s3+$0x0], $0xffff;
	vm7 =	veq.s32 v56, v6;
	v2 =	vsel vm6, v9, v2  }
0xef: {  	v62 =	vld.idx.msk [tilespmem:v21+s3+$0x0], $0xffff;
	vm8 =	veq.s32 v57, v6;
	v2 =	vsel vm7, v11, v2  }
0xf0: {  	v63 =	vld.idx.msk [tilespmem:v58+s3+$0x0], $0xffff;
	vm9 =	veq.s32 v3, v6;
	v2 =	vsel vm8, v13, v2  }
0xf1: {  	vm10 =	veq.s32 v59, v6;
	v3 =	vld.idx.msk [tilespmem:v1+s3+$0x0], $0xffff;
	v2 =	vsel vm9, v15, v2  }
0xf2: {  	vm11 =	veq.s32 v60, v6;
	v2 =	vsel vm10, v17, v2  }
0xf3: {  	vm12 =	veq.s32 v61, v6;
	v2 =	vsel vm11, v19, v2  }
0xf4: {  	vm13 =	veq.s32 v62, v6;
	v2 =	vsel vm12, v20, v2  }
0xf5: {  	vm14 =	veq.s32 v63, v6;
	v2 =	vsel vm13, v21, v2  }
0xf6: {  	vm15 =	veq.s32 v3, v6;
	v2 =	vsel vm14, v58, v2  }
0xf7: {  	s0 =	sadd.s32 $0x10, s0;
	v1 =	vsel vm15, v1, v2  }
0xf8: {  	[tilespmem:s0+$0x0] =	vst v1  }
0xf9: {  	_ =	strace $0x9000004C  }
0xfa: {  	s30 =	simm.s32 $0x13680;
	_ =	strace $0x8000004D  }
0xfb: {  	[tilespmem:s21], [sflag:$0x1] =	stream.indirect.gather [hbm4b:s2+s15], $0x1, s30, s15, $0x2000b8;
	[tilespmem:$0x13A80] =	vst v63  }
0xfc: {  	s31 =	simm.s32 $0x13700  }
0xfd: {  	[tilespmem:s23], [sflag:$0x1] =	stream.indirect.gather [hbm4b:s2+s15], $0x1, s31, s15, $0x2000b8;
	[tilespmem:$0x13A80] =	vst v63  }
0xfe: {  	_ = 	snop  }
0xff: {  	[tilespmem:s25], [sflag:$0x1] =	stream.indirect.gather [hbm4b:s2+s15], $0x1, s24, s15, $0x2000b8;
	[tilespmem:$0x13A80] =	vst v63  }
0x100: {  	_ = 	snop  }
0x101: {  	[tilespmem:s28], [sflag:$0x1] =	stream.indirect.gather [hbm4b:s2+s15], $0x1, s26, s15, $0x2000b8;
	[tilespmem:$0x13A80] =	vst v63  }
0x102: {  	_ =	swait.ge [sflag:s19], $0x80  }
0x103: {  	[sflag:s19] =	ssyncset.done $0x0  }
0x104: {  	[sflag:s19] =	ssyncadd.s32 $0xFFFFFF80  }
0x105: {  	_ =	swait.ge [sflag:s19], $0x80  }
0x106: {  	[sflag:s19] =	ssyncset.done $0x0  }
0x107: {  	[sflag:s19] =	ssyncadd.s32 $0xFFFFFF80  }
0x108: {  	_ =	swait.ge [sflag:s19], $0x80  }
0x109: {  	[sflag:s19] =	ssyncset.done $0x0  }
0x10a: {  	[sflag:s19] =	ssyncadd.s32 $0xFFFFFF80  }
0x10b: {  	_ =	swait.ge [sflag:s19], $0x80  }
0x10c: {  	[sflag:s19] =	ssyncset.done $0x0  }
0x10d: {  	[sflag:s19] =	ssyncadd.s32 $0xFFFFFF80  }
0x10e: {  	s29 =	sadd.s32 $0x1, s29;
	_ =	strace $0x9000004D  }
0x10f: {  	p0 =	sne.s32 s29, s11;
	_ =	strace $0x8000004E  }
0x110: {  	[hbm4b:s10+s3] =	stream.linear.scatter [tilespmem:s21], [sflag:$0x2], $0x200, $0x200038;
	[tilespmem:$0x13A80] =	vst v63  }
.Ltmp2:
0x111: {  	_ = 	snop;
	(pc) =	sbr.rel @p0 .LBB2_1-.Ltmp2, $4  }
0x112: {  	_ =	swait.ge [sflag:s12], $0x200  }
0x113: {  	[sflag:s12] =	ssyncset.done $0x0  }
0x114: {  	[sflag:s12] =	ssyncadd.s32 $0xFFFFFE00  }
0x115: {  	_ =	strace $0x9000004E  }
0x116: {  	_ =	sfence.sel $0x180000  }
0x117: {  	[bflag:$0x0] =	sbarrier.arrive $0xFFFF  }
0x118: {  	_ =	strace $0x90000047  }
0x119: {  	s0 =	stileid.u32;
	[bflag:$0x2] =	sbarrier.arrive $0xFFFF  }
0x11a: {  	p0 =	sne.s32 s0, $0x0;
	s0 =	rddreg [dreg:$0x4]  }
0x11b: {  	s0 =	sadd.s32 @!p0 $0x100000, s0  }
0x11c: {  	[sflag:s0] =	ssyncadd.tile.s32 @!p0 $0x1;
	_ =	shalt  }
.Lfunc_end2:
_tile_overlayer_lowered:
.L_overlay_start_2:
0x11d: {  	(tag) =	ssettag $0x2  }
0x11e: {  	s0 =	rddreg [dreg:$0x0];
	s2 =	stileid.u32  }
0x11f: {  	s1 =	rddreg [dreg:$0x1];
	p0 =	sne.s32 s2, $0x0  }
0x120: {  	s3 =	rddreg [dreg:$0x2];
	[bflag:$0x3] =	sbarrier.arrive $0xFFFF;
	s2 =	simm.s32 @!p0 $0x1C02  }
0x121: {  	[timem:s3], [sflag:s2] =	dma.local @!p0 [hbm:s0], s1  }
0x122: {  	s0 =	simm.s32 @!p0 $0x2  }
0x123: {  	_ =	swait.ge @!p0 [sflag:s0], s1  }
0x124: {  	s1 =	ssub.s32 @!p0 $0x0, s1;
	[sflag:s0] =	ssyncset.done @!p0 $0x0  }
0x125: {  	[sflag:s0] =	ssyncadd.s32 @!p0 s1  }
0x126: {  	[bflag:$0x3] =	sbarrier.arrive $0xFFFF  }
0x127: {  	_ =	shalt  }

</sc_bundles>
